<compile_context>
chip_gen: v7x
topology: tpu7x:2x2x1
jax: 0.10.2.dev20260603
libtpu: 0.0.44.dev20260713+nightly
codegen_flags: <defaults>
</compile_context>

<pallas_src>
import functools

import jax
import jax.numpy as jnp
from jax import lax
from jax.experimental import pallas as pl
from jax.experimental.pallas import tpu as pltpu
from jax.experimental.pallas import tpu_sc as plsc

N = 2048
B = 2
K = 30
EPS = 1e-5
ROWS = 256
SCW = 128
BIGF = 3.4e38


def _knn_body(x_row_ref, xt_ref, sqr_ref, sqc_ref, idx_ref):
    b = pl.program_id(0)
    xr = x_row_ref[0]
    xt = xt_ref[0]
    inner = jnp.dot(xr, xt, preferred_element_type=jnp.float32)
    d = sqr_ref[0] - 2.0 * inner + sqc_ref[0]
    col = lax.broadcasted_iota(jnp.int32, (ROWS, N), 1)
    col30 = lax.broadcasted_iota(jnp.int32, (ROWS, K), 1)
    idx0 = jnp.zeros((ROWS, K), jnp.int32)

    def step(k, carry):
        d, idxacc = carry
        c = jnp.argmin(d, axis=1).astype(jnp.int32)[:, None]
        idxacc = jnp.where(col30 == k, c + b * N, idxacc)
        d = jnp.where(col == c, BIGF, d)
        return d, idxacc

    _, idxacc = lax.fori_loop(0, K, step, (d, idx0))
    idx_ref[0] = idxacc


def _knn_stage(x_pad, xt_pad, sq):
    cp = x_pad.shape[-1]
    grid = (B, N // ROWS)
    sq_r = sq[:, :, None]
    sq_c = sq[:, None, :]
    return pl.pallas_call(
        _knn_body,
        grid=grid,
        in_specs=[
            pl.BlockSpec((1, ROWS, cp), lambda b, r: (b, r, 0)),
            pl.BlockSpec((1, cp, N), lambda b, r: (b, 0, 0)),
            pl.BlockSpec((1, ROWS, 1), lambda b, r: (b, r, 0)),
            pl.BlockSpec((1, 1, N), lambda b, r: (b, 0, 0)),
        ],
        out_specs=pl.BlockSpec((1, ROWS, K), lambda b, r: (b, r, 0)),
        out_shape=jax.ShapeDtypeStruct((B, N, K), jnp.int32),
    )(x_pad, xt_pad, sq_r, sq_c)


def _sc_gather(x2d, idx_flat):
    nw = 32
    pts_w = (B * N) // nw
    chunk_pts = 4
    nchunks = pts_w // chunk_pts

    mesh = plsc.VectorSubcoreMesh(core_axis_name="c", subcore_axis_name="s")

    @functools.partial(
        pl.kernel,
        out_type=jax.ShapeDtypeStruct((B * N * K, SCW), jnp.float32),
        mesh=mesh,
        scratch_types=[
            pltpu.VMEM((pts_w * K,), jnp.int32),
            pltpu.VMEM((2, chunk_pts * K, SCW), jnp.float32),
            pltpu.SemaphoreType.DMA,
            pltpu.SemaphoreType.DMA,
        ],
    )
    def k(x_hbm, idx_hbm, g_hbm, idx_v, rows_v, sem_in, sem_out):
        wid = lax.axis_index("s") * 2 + lax.axis_index("c")
        base_pt = wid * pts_w
        pltpu.sync_copy(idx_hbm.at[pl.ds(base_pt * K, pts_w * K)], idx_v)

        def chunk_body(c, _):
            slot = lax.rem(c, 2)
            pltpu.async_copy(
                x_hbm.at[idx_v.at[pl.ds(c * chunk_pts * K, chunk_pts * K)]],
                rows_v.at[slot], sem_in).wait()
            pltpu.async_copy(
                rows_v.at[slot],
                g_hbm.at[pl.ds((base_pt + c * chunk_pts) * K, chunk_pts * K)],
                sem_out).wait()
            return 0

        lax.fori_loop(0, nchunks, chunk_body, 0)

    return k(x2d, idx_flat)


KB = 6


def _conv_body(x_row_ref, g_ref, wt_ref, zmax_ref, z4_ref, *, c):
    kb = pl.program_id(2)
    xr = x_row_ref[0]
    gkb = g_ref[...]
    xc = xr[:, :c]
    gc = gkb[:, :, :c].reshape(KB * ROWS, c)
    xrep = jnp.broadcast_to(xc[None], (KB, ROWS, c)).reshape(KB * ROWS, c)
    ef = jnp.concatenate([xrep, gc - xrep], axis=1)
    z = jnp.dot(ef, wt_ref[...], preferred_element_type=jnp.float32)
    zt = z.T
    for j in range(KB):
        z4_ref[0, j] = zt[:, j * ROWS:(j + 1) * ROWS]
    mx = jnp.max(z.reshape(KB, ROWS, -1), axis=0)

    @pl.when(kb == 0)
    def _():
        zmax_ref[0] = mx

    @pl.when(kb > 0)
    def _():
        zmax_ref[0] = jnp.maximum(zmax_ref[0], mx)


def _conv_stage(x_pad128, g_km, w_t, c):
    c_out = w_t.shape[1]
    nr = N // ROWS
    grid = (B, nr, K // KB)
    body = functools.partial(_conv_body, c=c)
    return pl.pallas_call(
        body,
        grid=grid,
        in_specs=[
            pl.BlockSpec((1, ROWS, SCW), lambda b, r, k: (b, r, 0)),
            pl.BlockSpec((KB, ROWS, SCW), lambda b, r, k: (k, b * nr + r, 0)),
            pl.BlockSpec((2 * c, c_out), lambda b, r, k: (0, 0)),
        ],
        out_specs=[
            pl.BlockSpec((1, ROWS, c_out), lambda b, r, k: (b, r, 0)),
            pl.BlockSpec((1, KB, c_out, ROWS), lambda b, r, k: (b, k, 0, r)),
        ],
        out_shape=[
            jax.ShapeDtypeStruct((B, N, c_out), jnp.float32),
            jax.ShapeDtypeStruct((B, K, c_out, N), jnp.float32),
        ],
    )(x_pad128, g_km, w_t)


def _finalize_body(zmax_ref, m_ref, v_ref, y_ref):
    zmax = zmax_ref[...]
    mean = m_ref[...]
    var = v_ref[...]
    denom = jnp.sqrt(var + EPS)
    y = jnp.maximum((zmax - mean[None]) / denom[None], 0.0)
    y_ref[...] = y


def _finalize(zmax, m, v):
    c_out = zmax.shape[-1]
    return pl.pallas_call(
        _finalize_body,
        out_shape=jax.ShapeDtypeStruct((B, N, c_out), jnp.float32),
    )(zmax, m.reshape(1, c_out), v.reshape(1, c_out))


def _final_body(w_ref, ft_ref, o_ref):
    o_ref[0] = jnp.dot(w_ref[...], ft_ref[0],
                       preferred_element_type=jnp.float32)


def _final_conv(w, feat_t):
    c_in = w.shape[1]
    c_out = w.shape[0]
    return pl.pallas_call(
        _final_body,
        grid=(B,),
        in_specs=[
            pl.BlockSpec((c_out, c_in), lambda b: (0, 0)),
            pl.BlockSpec((1, c_in, N), lambda b: (b, 0, 0)),
        ],
        out_specs=pl.BlockSpec((1, c_out, N), lambda b: (b, 0, 0)),
        out_shape=jax.ShapeDtypeStruct((B, c_out, N), jnp.float32),
    )(w, feat_t)


def _edge_block(x, w, bias):
    c = x.shape[-1]
    cp = max(8, c)
    x_pad = jnp.pad(x, ((0, 0), (0, 0), (0, cp - c)))
    xt_pad = jnp.transpose(x_pad, (0, 2, 1))
    sq = jnp.sum(x * x, axis=-1)

    idx = _knn_stage(x_pad, xt_pad, sq)

    x_pad128 = jnp.pad(x, ((0, 0), (0, 0), (0, SCW - c)))
    x2d = x_pad128.reshape(B * N, SCW)
    idx_nm = jnp.transpose(idx, (2, 0, 1)).reshape(K * B * N)
    g = _sc_gather(x2d, idx_nm)

    zmax, z4 = _conv_stage(x_pad128, g.reshape(K, B * N, SCW), w.T, c)
    m = jnp.mean(jnp.transpose(z4, (0, 3, 1, 2)) + bias[None, None, None, :],
                 axis=(0, 1, 2), keepdims=True)
    v = jnp.var(jnp.transpose(z4, (0, 2, 3, 1)) + bias[None, :, None, None],
                axis=(0, 2, 3), keepdims=True)
    return _finalize(zmax, m, v)


def kernel(point_cloud, params):
    pct = point_cloud.astype(jnp.bfloat16).astype(jnp.float32)
    x1 = _edge_block(pct, params['ec1_w'], params['ec1_b'])
    x2 = _edge_block(x1, params['ec2_w'], params['ec2_b'])
    x3 = _edge_block(x2, params['ec3_w'], params['ec3_b'])
    x4 = _edge_block(x3, params['ec4_w'], params['ec4_b'])
    feat = jnp.concatenate([x1, x2, x3, x4], axis=-1)
    feat_t = jnp.transpose(feat, (0, 2, 1))
    out = _final_conv(params['conv1_w'], feat_t)
    return out[:, :, :, None]

# --- scband reference (transcript-rebuilt; emitter-appended) ---
"""Pipeline reference for scband-edge-conv-43035572306082 (READ-ONLY COPY).

The authoritative reference and input builder live on the scoring server;
editing this copy changes nothing except your own understanding.
"""

import jax, jax.numpy as jnp
import numpy as np

K = 30

def conv1x1(x, W, b):
    return jnp.einsum('oi,bink->bonk', W, x) + b[None, :, None, None]

def bn2d(x, g, bta, eps=1e-5):
    m = jnp.mean(x, axis=(0, 2, 3), keepdims=True)
    v = jnp.var(x, axis=(0, 2, 3), keepdims=True)
    return (x - m) / jnp.sqrt(v + eps) * g[None, :, None, None] + bta[None, :, None, None]

def bn1d(x, g, bta, eps=1e-5):
    m = jnp.mean(x, axis=0, keepdims=True)
    v = jnp.var(x, axis=0, keepdims=True)
    return (x - m) / jnp.sqrt(v + eps) * g[None, :] + bta[None, :]

def pairwise_sqdist(x):
    inner = jnp.einsum('bnd,bmd->bnm', x, x)
    sq = jnp.sum(x * x, axis=-1)
    return sq[:, :, None] - 2.0 * inner + sq[:, None, :]

def get_edge_feature(x, nn_idx, k):
    B, N, D = x.shape
    flat = x.reshape(-1, D)
    idx = nn_idx + (jnp.arange(B) * N)[:, None, None]
    neighbors = flat[idx]
    central = jnp.broadcast_to(x[:, :, None, :], (B, N, k, D))
    ef = jnp.concatenate([central, neighbors - central], axis=-1)
    return jnp.transpose(ef, (0, 3, 1, 2))

def edge_conv_block(x, W, b, g, bta, k):
    if x.ndim == 4:
        x = x[:, :, :, 0]
    xt = jnp.transpose(x, (0, 2, 1))
    adj = pairwise_sqdist(xt)
    nn_idx = jax.lax.top_k(-adj, k)[1]
    ef = get_edge_feature(xt, nn_idx, k)
    y = jax.nn.relu(bn2d(conv1x1(ef, W, b), g, bta))
    return jnp.max(y, axis=-1, keepdims=True)

def input_transform_net(ef, p):
    x = jax.nn.relu(bn2d(conv1x1(ef, p['it_conv1_w'], p['it_conv1_b']), p['it_bn1_g'], p['it_bn1_beta']))
    x = jax.nn.relu(bn2d(conv1x1(x, p['it_conv2_w'], p['it_conv2_b']), p['it_bn2_g'], p['it_bn2_beta']))
    x = jnp.max(x, axis=-1, keepdims=True)
    x = jax.nn.relu(bn2d(conv1x1(x, p['it_conv3_w'], p['it_conv3_b']), p['it_bn3_g'], p['it_bn3_beta']))
    x = jnp.max(x[:, :, :, 0], axis=-1)
    x = jax.nn.relu(bn1d(x @ p['it_fc1_w'].T + p['it_fc1_b'], p['it_bn4_g'], p['it_bn4_beta']))
    x = jax.nn.relu(bn1d(x @ p['it_fc2_w'].T + p['it_fc2_b'], p['it_bn5_g'], p['it_bn5_beta']))
    x = x @ p['it_fc3_w'].T + p['it_fc3_b']
    return x.reshape(-1, 3, 3)

def edgeconv_forward(point_cloud, p, k=K):
    adj = pairwise_sqdist(point_cloud)
    nn_idx = jax.lax.top_k(-adj, k)[1]
    ef = get_edge_feature(point_cloud, nn_idx, k)
    transform = input_transform_net(ef, p)
    pct = jnp.einsum('bnd,bde->bne', point_cloud, transform)
    x = jnp.transpose(pct, (0, 2, 1))
    x1 = edge_conv_block(x, p['ec1_w'], p['ec1_b'], p['ec1_g'], p['ec1_beta'], k)
    x2 = edge_conv_block(x1, p['ec2_w'], p['ec2_b'], p['ec2_g'], p['ec2_beta'], k)
    x3 = edge_conv_block(x2, p['ec3_w'], p['ec3_b'], p['ec3_g'], p['ec3_beta'], k)
    x4 = edge_conv_block(x3, p['ec4_w'], p['ec4_b'], p['ec4_g'], p['ec4_beta'], k)
    x_cat = jnp.concatenate([x1, x2, x3, x4], axis=1)
    return conv1x1(x_cat, p['conv1_w'], p['conv1_b'])

def _make_params():
    key = jax.random.key(1)
    def nrm(i, shape):
        return 0.05 * jax.random.normal(jax.random.fold_in(key, i), shape, dtype=jnp.float32)
    p = {}
    w_specs = [('it_conv1_w', (64, 6)), ('it_conv2_w', (128, 64)), ('it_conv3_w', (1024, 128)),
               ('it_fc1_w', (512, 1024)), ('it_fc2_w', (256, 512)),
               ('ec1_w', (64, 6)), ('ec2_w', (64, 128)), ('ec3_w', (64, 128)), ('ec4_w', (128, 128)),
               ('conv1_w', (1024, 320))]
    for i, (name, shp) in enumerate(w_specs):
        p[name] = nrm(i, shp)
    b_specs = [('it_conv1_b', 64), ('it_conv2_b', 128), ('it_conv3_b', 1024), ('it_fc1_b', 512),
               ('it_fc2_b', 256), ('ec1_b', 64), ('ec2_b', 64), ('ec3_b', 64), ('ec4_b', 128), ('conv1_b', 1024)]
    for name, n in b_specs:
        p[name] = jnp.zeros((n,), dtype=jnp.float32)
    bn_specs = [('it_bn1', 64), ('it_bn2', 128), ('it_bn3', 1024), ('it_bn4', 512), ('it_bn5', 256),
                ('ec1', 64), ('ec2', 64), ('ec3', 64), ('ec4', 128)]
    for name, n in bn_specs:
        p[name + '_g'] = jnp.ones((n,), dtype=jnp.float32)
        p[name + '_beta'] = jnp.zeros((n,), dtype=jnp.float32)
    p['it_fc3_w'] = jnp.zeros((9, 256), dtype=jnp.float32)
    p['it_fc3_b'] = jnp.eye(3, dtype=jnp.float32).flatten()
    return p

def setup_inputs(seed: int = 0):
    key = jax.random.key(seed)
    point_cloud = jax.random.normal(key, (2, 2048, 3), dtype=jnp.float32)
    return {'point_cloud': point_cloud, 'params': _make_params()}

def reference(point_cloud, params):
    return edgeconv_forward(point_cloud, params)

if __name__ == "__main__":
    import jax
    _d = setup_inputs()
    print(jax.jit(kernel)(*tuple(_d.values())))

</pallas_src>

<mosaic_0001>
#map = affine_map<(d0, d1) -> (0, 0)>
#map1 = affine_map<(d0, d1) -> (0)>
module attributes {stable_mosaic.version = 14 : i64} {
  func.func @k(%arg0: i32, %arg1: i32, %arg2: memref<4096x128xf32, #tpu.memory_space<hbm>>, %arg3: memref<122880xi32, #tpu.memory_space<hbm>>, %arg4: memref<122880x128xf32, #tpu.memory_space<hbm>>, %arg5: memref<3840xi32, #tpu.memory_space<vmem>>, %arg6: memref<2x120x128xf32, #tpu.memory_space<vmem>>, %arg7: memref<!tpu.dma_semaphore, #tpu.memory_space<semaphore_mem>>, %arg8: memref<!tpu.dma_semaphore, #tpu.memory_space<semaphore_mem>>) attributes {dimension_semantics = [#tpu.dimension_semantics<core_parallel>, #tpu.dimension_semantics<subcore_parallel>], iteration_bounds = array<i64: 2, 16>, scalar_prefetch = 0 : i64, scratch_operands = 4 : i64, tpu.core_type = #tpu.core_type<sc_vector_subcore>, window_params = [{transform_indices = #map}, {transform_indices = #map1}, {transform_indices = #map}]} {
    %mul3A = arith.constant 2 : i32
    %mul3A_0 = arith.muli %arg1, %mul3A : i32
    %add3A = arith.addi %mul3A_0, %arg0 : i32
    %mul3A_1 = arith.constant 128 : i32
    %mul3A_2 = arith.muli %add3A, %mul3A_1 : i32
    %mul3A_3 = arith.constant 30 : i32
    %mul3A_4 = arith.muli %mul3A_2, %mul3A_3 : i32
    "tpu.region"() ({
      %run_scoped3A = tpu.sem_alloc : memref<!tpu.dma_semaphore, #tpu.memory_space<semaphore_mem>>
      %dma_start3A = tpu.memref_slice %arg3[%mul3A_4] : memref<122880xi32, #tpu.memory_space<hbm>> -> memref<3840xi32, #tpu.memory_space<hbm>>
      %dma_start3A_11 = tpu.memref_slice %arg3[%mul3A_4] : memref<122880xi32, #tpu.memory_space<hbm>> -> memref<3840xi32, #tpu.memory_space<hbm>>
      tpu.enqueue_dma source(%dma_start3A_11 : memref<3840xi32, #tpu.memory_space<hbm>>) target(%arg5 : memref<3840xi32, #tpu.memory_space<vmem>>) target_semaphore(%run_scoped3A : memref<!tpu.dma_semaphore, #tpu.memory_space<semaphore_mem>>)
      %dma_wait3A = tpu.memref_slice %arg3[%mul3A_4] : memref<122880xi32, #tpu.memory_space<hbm>> -> memref<3840xi32, #tpu.memory_space<hbm>>
      %dma_wait3A_12 = tpu.memref_slice %arg3[%mul3A_4] : memref<122880xi32, #tpu.memory_space<hbm>> -> memref<3840xi32, #tpu.memory_space<hbm>>
      tpu.wait_dma2 semaphore(%run_scoped3A : memref<!tpu.dma_semaphore, #tpu.memory_space<semaphore_mem>>) src(%dma_wait3A_12 : memref<3840xi32, #tpu.memory_space<hbm>>) dst(%arg5 : memref<3840xi32, #tpu.memory_space<vmem>>)
      tpu.yield
    }) : () -> ()
    %scan3A = arith.constant 0 : i32
    %scan3A_5 = arith.constant 0 : i32
    %scan3A_6 = arith.constant 32 : i32
    %scan3A_7 = arith.addi %scan3A_5, %scan3A_6 : i32
    %scan3A_8 = arith.constant 1 : i32
    %scan3A_9 = scf.for %scan3A_11 = %scan3A_5 to %scan3A_7 step %scan3A_8 iter_args(%scan3A_12 = %scan3A) -> (i32)  : i32 {
      %rem3A = arith.constant 2 : i32
      %rem3A_13 = arith.remsi %scan3A_11, %rem3A : i32
      %mul3A_14 = arith.constant 4 : i32
      %mul3A_15 = arith.muli %scan3A_11, %mul3A_14 : i32
      %mul3A_16 = arith.constant 30 : i32
      %mul3A_17 = arith.muli %mul3A_15, %mul3A_16 : i32
      %dma_start3A = arith.constant 0 : i32
      %dma_start3A_18 = arith.constant 0 : i32
      %dma_start3A_19 = tpu.memref_slice %arg6[%rem3A_13, %dma_start3A, %dma_start3A_18] : memref<2x120x128xf32, #tpu.memory_space<vmem>> -> memref<1x120x128xf32, #tpu.memory_space<vmem>>
      %dma_start3A_20 = tpu.memref_squeeze %dma_start3A_19 : memref<1x120x128xf32, #tpu.memory_space<vmem>> -> memref<120x128xf32, #tpu.memory_space<vmem>>
      %dma_start3A_21 = tpu.memref_slice %arg5[%mul3A_17] : memref<3840xi32, #tpu.memory_space<vmem>> -> memref<120xi32, #tpu.memory_space<vmem>>
      %dma_start3A_22 = arith.constant 0 : i32
      %dma_start3A_23 = arith.constant 0 : i32
      %dma_start3A_24 = tpu.memref_slice %arg2[%dma_start3A_22, %dma_start3A_23] : memref<4096x128xf32, #tpu.memory_space<hbm>> -> memref<4096x128xf32, #tpu.memory_space<hbm>>
      tpu.enqueue_indirect_dma source(%dma_start3A_24 : memref<4096x128xf32, #tpu.memory_space<hbm>>) target(%dma_start3A_20 : memref<120x128xf32, #tpu.memory_space<vmem>>) offsets(%dma_start3A_21 : memref<120xi32, #tpu.memory_space<vmem>>) semaphore(%arg7 : memref<!tpu.dma_semaphore, #tpu.memory_space<semaphore_mem>>)
      %dma_wait3A = arith.constant 0 : i32
      %dma_wait3A_25 = arith.constant 0 : i32
      %dma_wait3A_26 = tpu.memref_slice %arg6[%rem3A_13, %dma_wait3A, %dma_wait3A_25] : memref<2x120x128xf32, #tpu.memory_space<vmem>> -> memref<1x120x128xf32, #tpu.memory_space<vmem>>
      %dma_wait3A_27 = tpu.memref_squeeze %dma_wait3A_26 : memref<1x120x128xf32, #tpu.memory_space<vmem>> -> memref<120x128xf32, #tpu.memory_space<vmem>>
      %dma_wait3A_28 = tpu.memref_slice %arg5[%mul3A_17] : memref<3840xi32, #tpu.memory_space<vmem>> -> memref<120xi32, #tpu.memory_space<vmem>>
      %dma_wait3A_29 = arith.constant 0 : i32
      %dma_wait3A_30 = arith.constant 0 : i32
      %dma_wait3A_31 = tpu.memref_slice %arg2[%dma_wait3A_29, %dma_wait3A_30] : memref<4096x128xf32, #tpu.memory_space<hbm>> -> memref<4096x128xf32, #tpu.memory_space<hbm>>
      tpu.wait_indirect_dma semaphore(%arg7 : memref<!tpu.dma_semaphore, #tpu.memory_space<semaphore_mem>>) src(%dma_wait3A_31 : memref<4096x128xf32, #tpu.memory_space<hbm>>) dst(%dma_wait3A_27 : memref<120x128xf32, #tpu.memory_space<vmem>>)
      %mul3A_32 = arith.constant 4 : i32
      %mul3A_33 = arith.muli %scan3A_11, %mul3A_32 : i32
      %add3A_34 = arith.addi %mul3A_2, %mul3A_33 : i32
      %mul3A_35 = arith.constant 30 : i32
      %mul3A_36 = arith.muli %add3A_34, %mul3A_35 : i32
      %dma_start3A_37 = arith.constant 0 : i32
      %dma_start3A_38 = arith.constant 0 : i32
      %dma_start3A_39 = tpu.memref_slice %arg6[%rem3A_13, %dma_start3A_37, %dma_start3A_38] : memref<2x120x128xf32, #tpu.memory_space<vmem>> -> memref<1x120x128xf32, #tpu.memory_space<vmem>>
      %dma_start3A_40 = tpu.memref_squeeze %dma_start3A_39 : memref<1x120x128xf32, #tpu.memory_space<vmem>> -> memref<120x128xf32, #tpu.memory_space<vmem>>
      %dma_start3A_41 = arith.constant 0 : i32
      %dma_start3A_42 = tpu.memref_slice %arg4[%mul3A_36, %dma_start3A_41] : memref<122880x128xf32, #tpu.memory_space<hbm>> -> memref<120x128xf32, #tpu.memory_space<hbm>>
      %dma_start3A_43 = arith.constant 0 : i32
      %dma_start3A_44 = tpu.memref_slice %arg4[%mul3A_36, %dma_start3A_43] : memref<122880x128xf32, #tpu.memory_space<hbm>> -> memref<120x128xf32, #tpu.memory_space<hbm>>
      %dma_start3A_45 = arith.constant 0 : i32
      %dma_start3A_46 = arith.constant 0 : i32
      %dma_start3A_47 = tpu.memref_slice %arg6[%rem3A_13, %dma_start3A_45, %dma_start3A_46] : memref<2x120x128xf32, #tpu.memory_space<vmem>> -> memref<1x120x128xf32, #tpu.memory_space<vmem>>
      %dma_start3A_48 = tpu.memref_squeeze %dma_start3A_47 : memref<1x120x128xf32, #tpu.memory_space<vmem>> -> memref<120x128xf32, #tpu.memory_space<vmem>>
      tpu.enqueue_dma source(%dma_start3A_48 : memref<120x128xf32, #tpu.memory_space<vmem>>) target(%dma_start3A_44 : memref<120x128xf32, #tpu.memory_space<hbm>>) target_semaphore(%arg8 : memref<!tpu.dma_semaphore, #tpu.memory_space<semaphore_mem>>)
      %dma_wait3A_49 = arith.constant 0 : i32
      %dma_wait3A_50 = arith.constant 0 : i32
      %dma_wait3A_51 = tpu.memref_slice %arg6[%rem3A_13, %dma_wait3A_49, %dma_wait3A_50] : memref<2x120x128xf32, #tpu.memory_space<vmem>> -> memref<1x120x128xf32, #tpu.memory_space<vmem>>
      %dma_wait3A_52 = tpu.memref_squeeze %dma_wait3A_51 : memref<1x120x128xf32, #tpu.memory_space<vmem>> -> memref<120x128xf32, #tpu.memory_space<vmem>>
      %dma_wait3A_53 = arith.constant 0 : i32
      %dma_wait3A_54 = tpu.memref_slice %arg4[%mul3A_36, %dma_wait3A_53] : memref<122880x128xf32, #tpu.memory_space<hbm>> -> memref<120x128xf32, #tpu.memory_space<hbm>>
      %dma_wait3A_55 = arith.constant 0 : i32
      %dma_wait3A_56 = tpu.memref_slice %arg4[%mul3A_36, %dma_wait3A_55] : memref<122880x128xf32, #tpu.memory_space<hbm>> -> memref<120x128xf32, #tpu.memory_space<hbm>>
      %dma_wait3A_57 = arith.constant 0 : i32
      %dma_wait3A_58 = arith.constant 0 : i32
      %dma_wait3A_59 = tpu.memref_slice %arg6[%rem3A_13, %dma_wait3A_57, %dma_wait3A_58] : memref<2x120x128xf32, #tpu.memory_space<vmem>> -> memref<1x120x128xf32, #tpu.memory_space<vmem>>
      %dma_wait3A_60 = tpu.memref_squeeze %dma_wait3A_59 : memref<1x120x128xf32, #tpu.memory_space<vmem>> -> memref<120x128xf32, #tpu.memory_space<vmem>>
      tpu.wait_dma2 semaphore(%arg8 : memref<!tpu.dma_semaphore, #tpu.memory_space<semaphore_mem>>) src(%dma_wait3A_60 : memref<120x128xf32, #tpu.memory_space<vmem>>) dst(%dma_wait3A_56 : memref<120x128xf32, #tpu.memory_space<hbm>>)
      %scan3A_61 = arith.constant 0 : i32
      scf.yield %scan3A_61 : i32
    }
    %scan3A_10 = arith.constant 32 : i32
    return
  }
}

#map = affine_map<(d0, d1) -> (0, 0)>
#map1 = affine_map<(d0, d1) -> (0)>
module attributes {stable_mosaic.version = 14 : i64} {
  func.func @k(%arg0: i32, %arg1: i32, %arg2: memref<4096x128xf32, #tpu.memory_space<hbm>>, %arg3: memref<122880xi32, #tpu.memory_space<hbm>>, %arg4: memref<122880x128xf32, #tpu.memory_space<hbm>>, %arg5: memref<3840xi32, #tpu.memory_space<vmem>>, %arg6: memref<2x120x128xf32, #tpu.memory_space<vmem>>, %arg7: memref<!tpu.dma_semaphore, #tpu.memory_space<semaphore_mem>>, %arg8: memref<!tpu.dma_semaphore, #tpu.memory_space<semaphore_mem>>) attributes {dimension_semantics = [#tpu.dimension_semantics<core_parallel>, #tpu.dimension_semantics<subcore_parallel>], iteration_bounds = array<i64: 2, 16>, scalar_prefetch = 0 : i64, scratch_operands = 4 : i64, tpu.core_type = #tpu.core_type<sc_vector_subcore>, window_params = [{transform_indices = #map}, {transform_indices = #map1}, {transform_indices = #map}]} {
    %mul3A = arith.constant 2 : i32
    %mul3A_0 = arith.muli %arg1, %mul3A : i32
    %add3A = arith.addi %mul3A_0, %arg0 : i32
    %mul3A_1 = arith.constant 128 : i32
    %mul3A_2 = arith.muli %add3A, %mul3A_1 : i32
    %mul3A_3 = arith.constant 30 : i32
    %mul3A_4 = arith.muli %mul3A_2, %mul3A_3 : i32
    "tpu.region"() ({
      %run_scoped3A = tpu.sem_alloc : memref<!tpu.dma_semaphore, #tpu.memory_space<semaphore_mem>>
      %dma_start3A = tpu.memref_slice %arg3[%mul3A_4] : memref<122880xi32, #tpu.memory_space<hbm>> -> memref<3840xi32, #tpu.memory_space<hbm>>
      %dma_start3A_11 = tpu.memref_slice %arg3[%mul3A_4] : memref<122880xi32, #tpu.memory_space<hbm>> -> memref<3840xi32, #tpu.memory_space<hbm>>
      tpu.enqueue_dma source(%dma_start3A_11 : memref<3840xi32, #tpu.memory_space<hbm>>) target(%arg5 : memref<3840xi32, #tpu.memory_space<vmem>>) target_semaphore(%run_scoped3A : memref<!tpu.dma_semaphore, #tpu.memory_space<semaphore_mem>>)
      %dma_wait3A = tpu.memref_slice %arg3[%mul3A_4] : memref<122880xi32, #tpu.memory_space<hbm>> -> memref<3840xi32, #tpu.memory_space<hbm>>
      %dma_wait3A_12 = tpu.memref_slice %arg3[%mul3A_4] : memref<122880xi32, #tpu.memory_space<hbm>> -> memref<3840xi32, #tpu.memory_space<hbm>>
      tpu.wait_dma2 semaphore(%run_scoped3A : memref<!tpu.dma_semaphore, #tpu.memory_space<semaphore_mem>>) src(%dma_wait3A_12 : memref<3840xi32, #tpu.memory_space<hbm>>) dst(%arg5 : memref<3840xi32, #tpu.memory_space<vmem>>)
      tpu.yield
    }) : () -> ()
    %scan3A = arith.constant 0 : i32
    %scan3A_5 = arith.constant 0 : i32
    %scan3A_6 = arith.constant 32 : i32
    %scan3A_7 = arith.addi %scan3A_5, %scan3A_6 : i32
    %scan3A_8 = arith.constant 1 : i32
    %scan3A_9 = scf.for %scan3A_11 = %scan3A_5 to %scan3A_7 step %scan3A_8 iter_args(%scan3A_12 = %scan3A) -> (i32)  : i32 {
      %rem3A = arith.constant 2 : i32
      %rem3A_13 = arith.remsi %scan3A_11, %rem3A : i32
      %mul3A_14 = arith.constant 4 : i32
      %mul3A_15 = arith.muli %scan3A_11, %mul3A_14 : i32
      %mul3A_16 = arith.constant 30 : i32
      %mul3A_17 = arith.muli %mul3A_15, %mul3A_16 : i32
      %dma_start3A = arith.constant 0 : i32
      %dma_start3A_18 = arith.constant 0 : i32
      %dma_start3A_19 = tpu.memref_slice %arg6[%rem3A_13, %dma_start3A, %dma_start3A_18] : memref<2x120x128xf32, #tpu.memory_space<vmem>> -> memref<1x120x128xf32, #tpu.memory_space<vmem>>
      %dma_start3A_20 = tpu.memref_squeeze %dma_start3A_19 : memref<1x120x128xf32, #tpu.memory_space<vmem>> -> memref<120x128xf32, #tpu.memory_space<vmem>>
      %dma_start3A_21 = tpu.memref_slice %arg5[%mul3A_17] : memref<3840xi32, #tpu.memory_space<vmem>> -> memref<120xi32, #tpu.memory_space<vmem>>
      %dma_start3A_22 = arith.constant 0 : i32
      %dma_start3A_23 = arith.constant 0 : i32
      %dma_start3A_24 = tpu.memref_slice %arg2[%dma_start3A_22, %dma_start3A_23] : memref<4096x128xf32, #tpu.memory_space<hbm>> -> memref<4096x128xf32, #tpu.memory_space<hbm>>
      tpu.enqueue_indirect_dma source(%dma_start3A_24 : memref<4096x128xf32, #tpu.memory_space<hbm>>) target(%dma_start3A_20 : memref<120x128xf32, #tpu.memory_space<vmem>>) offsets(%dma_start3A_21 : memref<120xi32, #tpu.memory_space<vmem>>) semaphore(%arg7 : memref<!tpu.dma_semaphore, #tpu.memory_space<semaphore_mem>>)
      %dma_wait3A = arith.constant 0 : i32
      %dma_wait3A_25 = arith.constant 0 : i32
      %dma_wait3A_26 = tpu.memref_slice %arg6[%rem3A_13, %dma_wait3A, %dma_wait3A_25] : memref<2x120x128xf32, #tpu.memory_space<vmem>> -> memref<1x120x128xf32, #tpu.memory_space<vmem>>
      %dma_wait3A_27 = tpu.memref_squeeze %dma_wait3A_26 : memref<1x120x128xf32, #tpu.memory_space<vmem>> -> memref<120x128xf32, #tpu.memory_space<vmem>>
      %dma_wait3A_28 = tpu.memref_slice %arg5[%mul3A_17] : memref<3840xi32, #tpu.memory_space<vmem>> -> memref<120xi32, #tpu.memory_space<vmem>>
      %dma_wait3A_29 = arith.constant 0 : i32
      %dma_wait3A_30 = arith.constant 0 : i32
      %dma_wait3A_31 = tpu.memref_slice %arg2[%dma_wait3A_29, %dma_wait3A_30] : memref<4096x128xf32, #tpu.memory_space<hbm>> -> memref<4096x128xf32, #tpu.memory_space<hbm>>
      tpu.wait_indirect_dma semaphore(%arg7 : memref<!tpu.dma_semaphore, #tpu.memory_space<semaphore_mem>>) src(%dma_wait3A_31 : memref<4096x128xf32, #tpu.memory_space<hbm>>) dst(%dma_wait3A_27 : memref<120x128xf32, #tpu.memory_space<vmem>>)
      %mul3A_32 = arith.constant 4 : i32
      %mul3A_33 = arith.muli %scan3A_11, %mul3A_32 : i32
      %add3A_34 = arith.addi %mul3A_2, %mul3A_33 : i32
      %mul3A_35 = arith.constant 30 : i32
      %mul3A_36 = arith.muli %add3A_34, %mul3A_35 : i32
      %dma_start3A_37 = arith.constant 0 : i32
      %dma_start3A_38 = arith.constant 0 : i32
      %dma_start3A_39 = tpu.memref_slice %arg6[%rem3A_13, %dma_start3A_37, %dma_start3A_38] : memref<2x120x128xf32, #tpu.memory_space<vmem>> -> memref<1x120x128xf32, #tpu.memory_space<vmem>>
      %dma_start3A_40 = tpu.memref_squeeze %dma_start3A_39 : memref<1x120x128xf32, #tpu.memory_space<vmem>> -> memref<120x128xf32, #tpu.memory_space<vmem>>
      %dma_start3A_41 = arith.constant 0 : i32
      %dma_start3A_42 = tpu.memref_slice %arg4[%mul3A_36, %dma_start3A_41] : memref<122880x128xf32, #tpu.memory_space<hbm>> -> memref<120x128xf32, #tpu.memory_space<hbm>>
      %dma_start3A_43 = arith.constant 0 : i32
      %dma_start3A_44 = tpu.memref_slice %arg4[%mul3A_36, %dma_start3A_43] : memref<122880x128xf32, #tpu.memory_space<hbm>> -> memref<120x128xf32, #tpu.memory_space<hbm>>
      %dma_start3A_45 = arith.constant 0 : i32
      %dma_start3A_46 = arith.constant 0 : i32
      %dma_start3A_47 = tpu.memref_slice %arg6[%rem3A_13, %dma_start3A_45, %dma_start3A_46] : memref<2x120x128xf32, #tpu.memory_space<vmem>> -> memref<1x120x128xf32, #tpu.memory_space<vmem>>
      %dma_start3A_48 = tpu.memref_squeeze %dma_start3A_47 : memref<1x120x128xf32, #tpu.memory_space<vmem>> -> memref<120x128xf32, #tpu.memory_space<vmem>>
      tpu.enqueue_dma source(%dma_start3A_48 : memref<120x128xf32, #tpu.memory_space<vmem>>) target(%dma_start3A_44 : memref<120x128xf32, #tpu.memory_space<hbm>>) target_semaphore(%arg8 : memref<!tpu.dma_semaphore, #tpu.memory_space<semaphore_mem>>)
      %dma_wait3A_49 = arith.constant 0 : i32
      %dma_wait3A_50 = arith.constant 0 : i32
      %dma_wait3A_51 = tpu.memref_slice %arg6[%rem3A_13, %dma_wait3A_49, %dma_wait3A_50] : memref<2x120x128xf32, #tpu.memory_space<vmem>> -> memref<1x120x128xf32, #tpu.memory_space<vmem>>
      %dma_wait3A_52 = tpu.memref_squeeze %dma_wait3A_51 : memref<1x120x128xf32, #tpu.memory_space<vmem>> -> memref<120x128xf32, #tpu.memory_space<vmem>>
      %dma_wait3A_53 = arith.constant 0 : i32
      %dma_wait3A_54 = tpu.memref_slice %arg4[%mul3A_36, %dma_wait3A_53] : memref<122880x128xf32, #tpu.memory_space<hbm>> -> memref<120x128xf32, #tpu.memory_space<hbm>>
      %dma_wait3A_55 = arith.constant 0 : i32
      %dma_wait3A_56 = tpu.memref_slice %arg4[%mul3A_36, %dma_wait3A_55] : memref<122880x128xf32, #tpu.memory_space<hbm>> -> memref<120x128xf32, #tpu.memory_space<hbm>>
      %dma_wait3A_57 = arith.constant 0 : i32
      %dma_wait3A_58 = arith.constant 0 : i32
      %dma_wait3A_59 = tpu.memref_slice %arg6[%rem3A_13, %dma_wait3A_57, %dma_wait3A_58] : memref<2x120x128xf32, #tpu.memory_space<vmem>> -> memref<1x120x128xf32, #tpu.memory_space<vmem>>
      %dma_wait3A_60 = tpu.memref_squeeze %dma_wait3A_59 : memref<1x120x128xf32, #tpu.memory_space<vmem>> -> memref<120x128xf32, #tpu.memory_space<vmem>>
      tpu.wait_dma2 semaphore(%arg8 : memref<!tpu.dma_semaphore, #tpu.memory_space<semaphore_mem>>) src(%dma_wait3A_60 : memref<120x128xf32, #tpu.memory_space<vmem>>) dst(%dma_wait3A_56 : memref<120x128xf32, #tpu.memory_space<hbm>>)
      %scan3A_61 = arith.constant 0 : i32
      scf.yield %scan3A_61 : i32
    }
    %scan3A_10 = arith.constant 32 : i32
    return
  }
}

#map = affine_map<(d0, d1) -> (0, 0)>
#map1 = affine_map<(d0, d1) -> (0)>
module attributes {stable_mosaic.version = 14 : i64} {
  func.func @k(%arg0: i32, %arg1: i32, %arg2: memref<4096x128xf32, #tpu.memory_space<hbm>>, %arg3: memref<122880xi32, #tpu.memory_space<hbm>>, %arg4: memref<122880x128xf32, #tpu.memory_space<hbm>>, %arg5: memref<3840xi32, #tpu.memory_space<vmem>>, %arg6: memref<2x120x128xf32, #tpu.memory_space<vmem>>, %arg7: memref<!tpu.dma_semaphore, #tpu.memory_space<semaphore_mem>>, %arg8: memref<!tpu.dma_semaphore, #tpu.memory_space<semaphore_mem>>) attributes {dimension_semantics = [#tpu.dimension_semantics<core_parallel>, #tpu.dimension_semantics<subcore_parallel>], iteration_bounds = array<i64: 2, 16>, scalar_prefetch = 0 : i64, scratch_operands = 4 : i64, tpu.core_type = #tpu.core_type<sc_vector_subcore>, window_params = [{transform_indices = #map}, {transform_indices = #map1}, {transform_indices = #map}]} {
    %mul3A = arith.constant 2 : i32
    %mul3A_0 = arith.muli %arg1, %mul3A : i32
    %add3A = arith.addi %mul3A_0, %arg0 : i32
    %mul3A_1 = arith.constant 128 : i32
    %mul3A_2 = arith.muli %add3A, %mul3A_1 : i32
    %mul3A_3 = arith.constant 30 : i32
    %mul3A_4 = arith.muli %mul3A_2, %mul3A_3 : i32
    "tpu.region"() ({
      %run_scoped3A = tpu.sem_alloc : memref<!tpu.dma_semaphore, #tpu.memory_space<semaphore_mem>>
      %dma_start3A = tpu.memref_slice %arg3[%mul3A_4] : memref<122880xi32, #tpu.memory_space<hbm>> -> memref<3840xi32, #tpu.memory_space<hbm>>
      %dma_start3A_11 = tpu.memref_slice %arg3[%mul3A_4] : memref<122880xi32, #tpu.memory_space<hbm>> -> memref<3840xi32, #tpu.memory_space<hbm>>
      tpu.enqueue_dma source(%dma_start3A_11 : memref<3840xi32, #tpu.memory_space<hbm>>) target(%arg5 : memref<3840xi32, #tpu.memory_space<vmem>>) target_semaphore(%run_scoped3A : memref<!tpu.dma_semaphore, #tpu.memory_space<semaphore_mem>>)
      %dma_wait3A = tpu.memref_slice %arg3[%mul3A_4] : memref<122880xi32, #tpu.memory_space<hbm>> -> memref<3840xi32, #tpu.memory_space<hbm>>
      %dma_wait3A_12 = tpu.memref_slice %arg3[%mul3A_4] : memref<122880xi32, #tpu.memory_space<hbm>> -> memref<3840xi32, #tpu.memory_space<hbm>>
      tpu.wait_dma2 semaphore(%run_scoped3A : memref<!tpu.dma_semaphore, #tpu.memory_space<semaphore_mem>>) src(%dma_wait3A_12 : memref<3840xi32, #tpu.memory_space<hbm>>) dst(%arg5 : memref<3840xi32, #tpu.memory_space<vmem>>)
      tpu.yield
    }) : () -> ()
    %scan3A = arith.constant 0 : i32
    %scan3A_5 = arith.constant 0 : i32
    %scan3A_6 = arith.constant 32 : i32
    %scan3A_7 = arith.addi %scan3A_5, %scan3A_6 : i32
    %scan3A_8 = arith.constant 1 : i32
    %scan3A_9 = scf.for %scan3A_11 = %scan3A_5 to %scan3A_7 step %scan3A_8 iter_args(%scan3A_12 = %scan3A) -> (i32)  : i32 {
      %rem3A = arith.constant 2 : i32
      %rem3A_13 = arith.remsi %scan3A_11, %rem3A : i32
      %mul3A_14 = arith.constant 4 : i32
      %mul3A_15 = arith.muli %scan3A_11, %mul3A_14 : i32
      %mul3A_16 = arith.constant 30 : i32
      %mul3A_17 = arith.muli %mul3A_15, %mul3A_16 : i32
      %dma_start3A = arith.constant 0 : i32
      %dma_start3A_18 = arith.constant 0 : i32
      %dma_start3A_19 = tpu.memref_slice %arg6[%rem3A_13, %dma_start3A, %dma_start3A_18] : memref<2x120x128xf32, #tpu.memory_space<vmem>> -> memref<1x120x128xf32, #tpu.memory_space<vmem>>
      %dma_start3A_20 = tpu.memref_squeeze %dma_start3A_19 : memref<1x120x128xf32, #tpu.memory_space<vmem>> -> memref<120x128xf32, #tpu.memory_space<vmem>>
      %dma_start3A_21 = tpu.memref_slice %arg5[%mul3A_17] : memref<3840xi32, #tpu.memory_space<vmem>> -> memref<120xi32, #tpu.memory_space<vmem>>
      %dma_start3A_22 = arith.constant 0 : i32
      %dma_start3A_23 = arith.constant 0 : i32
      %dma_start3A_24 = tpu.memref_slice %arg2[%dma_start3A_22, %dma_start3A_23] : memref<4096x128xf32, #tpu.memory_space<hbm>> -> memref<4096x128xf32, #tpu.memory_space<hbm>>
      tpu.enqueue_indirect_dma source(%dma_start3A_24 : memref<4096x128xf32, #tpu.memory_space<hbm>>) target(%dma_start3A_20 : memref<120x128xf32, #tpu.memory_space<vmem>>) offsets(%dma_start3A_21 : memref<120xi32, #tpu.memory_space<vmem>>) semaphore(%arg7 : memref<!tpu.dma_semaphore, #tpu.memory_space<semaphore_mem>>)
      %dma_wait3A = arith.constant 0 : i32
      %dma_wait3A_25 = arith.constant 0 : i32
      %dma_wait3A_26 = tpu.memref_slice %arg6[%rem3A_13, %dma_wait3A, %dma_wait3A_25] : memref<2x120x128xf32, #tpu.memory_space<vmem>> -> memref<1x120x128xf32, #tpu.memory_space<vmem>>
      %dma_wait3A_27 = tpu.memref_squeeze %dma_wait3A_26 : memref<1x120x128xf32, #tpu.memory_space<vmem>> -> memref<120x128xf32, #tpu.memory_space<vmem>>
      %dma_wait3A_28 = tpu.memref_slice %arg5[%mul3A_17] : memref<3840xi32, #tpu.memory_space<vmem>> -> memref<120xi32, #tpu.memory_space<vmem>>
      %dma_wait3A_29 = arith.constant 0 : i32
      %dma_wait3A_30 = arith.constant 0 : i32
      %dma_wait3A_31 = tpu.memref_slice %arg2[%dma_wait3A_29, %dma_wait3A_30] : memref<4096x128xf32, #tpu.memory_space<hbm>> -> memref<4096x128xf32, #tpu.memory_space<hbm>>
      tpu.wait_indirect_dma semaphore(%arg7 : memref<!tpu.dma_semaphore, #tpu.memory_space<semaphore_mem>>) src(%dma_wait3A_31 : memref<4096x128xf32, #tpu.memory_space<hbm>>) dst(%dma_wait3A_27 : memref<120x128xf32, #tpu.memory_space<vmem>>)
      %mul3A_32 = arith.constant 4 : i32
      %mul3A_33 = arith.muli %scan3A_11, %mul3A_32 : i32
      %add3A_34 = arith.addi %mul3A_2, %mul3A_33 : i32
      %mul3A_35 = arith.constant 30 : i32
      %mul3A_36 = arith.muli %add3A_34, %mul3A_35 : i32
      %dma_start3A_37 = arith.constant 0 : i32
      %dma_start3A_38 = arith.constant 0 : i32
      %dma_start3A_39 = tpu.memref_slice %arg6[%rem3A_13, %dma_start3A_37, %dma_start3A_38] : memref<2x120x128xf32, #tpu.memory_space<vmem>> -> memref<1x120x128xf32, #tpu.memory_space<vmem>>
      %dma_start3A_40 = tpu.memref_squeeze %dma_start3A_39 : memref<1x120x128xf32, #tpu.memory_space<vmem>> -> memref<120x128xf32, #tpu.memory_space<vmem>>
      %dma_start3A_41 = arith.constant 0 : i32
      %dma_start3A_42 = tpu.memref_slice %arg4[%mul3A_36, %dma_start3A_41] : memref<122880x128xf32, #tpu.memory_space<hbm>> -> memref<120x128xf32, #tpu.memory_space<hbm>>
      %dma_start3A_43 = arith.constant 0 : i32
      %dma_start3A_44 = tpu.memref_slice %arg4[%mul3A_36, %dma_start3A_43] : memref<122880x128xf32, #tpu.memory_space<hbm>> -> memref<120x128xf32, #tpu.memory_space<hbm>>
      %dma_start3A_45 = arith.constant 0 : i32
      %dma_start3A_46 = arith.constant 0 : i32
      %dma_start3A_47 = tpu.memref_slice %arg6[%rem3A_13, %dma_start3A_45, %dma_start3A_46] : memref<2x120x128xf32, #tpu.memory_space<vmem>> -> memref<1x120x128xf32, #tpu.memory_space<vmem>>
      %dma_start3A_48 = tpu.memref_squeeze %dma_start3A_47 : memref<1x120x128xf32, #tpu.memory_space<vmem>> -> memref<120x128xf32, #tpu.memory_space<vmem>>
      tpu.enqueue_dma source(%dma_start3A_48 : memref<120x128xf32, #tpu.memory_space<vmem>>) target(%dma_start3A_44 : memref<120x128xf32, #tpu.memory_space<hbm>>) target_semaphore(%arg8 : memref<!tpu.dma_semaphore, #tpu.memory_space<semaphore_mem>>)
      %dma_wait3A_49 = arith.constant 0 : i32
      %dma_wait3A_50 = arith.constant 0 : i32
      %dma_wait3A_51 = tpu.memref_slice %arg6[%rem3A_13, %dma_wait3A_49, %dma_wait3A_50] : memref<2x120x128xf32, #tpu.memory_space<vmem>> -> memref<1x120x128xf32, #tpu.memory_space<vmem>>
      %dma_wait3A_52 = tpu.memref_squeeze %dma_wait3A_51 : memref<1x120x128xf32, #tpu.memory_space<vmem>> -> memref<120x128xf32, #tpu.memory_space<vmem>>
      %dma_wait3A_53 = arith.constant 0 : i32
      %dma_wait3A_54 = tpu.memref_slice %arg4[%mul3A_36, %dma_wait3A_53] : memref<122880x128xf32, #tpu.memory_space<hbm>> -> memref<120x128xf32, #tpu.memory_space<hbm>>
      %dma_wait3A_55 = arith.constant 0 : i32
      %dma_wait3A_56 = tpu.memref_slice %arg4[%mul3A_36, %dma_wait3A_55] : memref<122880x128xf32, #tpu.memory_space<hbm>> -> memref<120x128xf32, #tpu.memory_space<hbm>>
      %dma_wait3A_57 = arith.constant 0 : i32
      %dma_wait3A_58 = arith.constant 0 : i32
      %dma_wait3A_59 = tpu.memref_slice %arg6[%rem3A_13, %dma_wait3A_57, %dma_wait3A_58] : memref<2x120x128xf32, #tpu.memory_space<vmem>> -> memref<1x120x128xf32, #tpu.memory_space<vmem>>
      %dma_wait3A_60 = tpu.memref_squeeze %dma_wait3A_59 : memref<1x120x128xf32, #tpu.memory_space<vmem>> -> memref<120x128xf32, #tpu.memory_space<vmem>>
      tpu.wait_dma2 semaphore(%arg8 : memref<!tpu.dma_semaphore, #tpu.memory_space<semaphore_mem>>) src(%dma_wait3A_60 : memref<120x128xf32, #tpu.memory_space<vmem>>) dst(%dma_wait3A_56 : memref<120x128xf32, #tpu.memory_space<hbm>>)
      %scan3A_61 = arith.constant 0 : i32
      scf.yield %scan3A_61 : i32
    }
    %scan3A_10 = arith.constant 32 : i32
    return
  }
}

#map = affine_map<(d0, d1) -> (0, 0)>
#map1 = affine_map<(d0, d1) -> (0)>
module attributes {stable_mosaic.version = 14 : i64} {
  func.func @k(%arg0: i32, %arg1: i32, %arg2: memref<4096x128xf32, #tpu.memory_space<hbm>>, %arg3: memref<122880xi32, #tpu.memory_space<hbm>>, %arg4: memref<122880x128xf32, #tpu.memory_space<hbm>>, %arg5: memref<3840xi32, #tpu.memory_space<vmem>>, %arg6: memref<2x120x128xf32, #tpu.memory_space<vmem>>, %arg7: memref<!tpu.dma_semaphore, #tpu.memory_space<semaphore_mem>>, %arg8: memref<!tpu.dma_semaphore, #tpu.memory_space<semaphore_mem>>) attributes {dimension_semantics = [#tpu.dimension_semantics<core_parallel>, #tpu.dimension_semantics<subcore_parallel>], iteration_bounds = array<i64: 2, 16>, scalar_prefetch = 0 : i64, scratch_operands = 4 : i64, tpu.core_type = #tpu.core_type<sc_vector_subcore>, window_params = [{transform_indices = #map}, {transform_indices = #map1}, {transform_indices = #map}]} {
    %mul3A = arith.constant 2 : i32
    %mul3A_0 = arith.muli %arg1, %mul3A : i32
    %add3A = arith.addi %mul3A_0, %arg0 : i32
    %mul3A_1 = arith.constant 128 : i32
    %mul3A_2 = arith.muli %add3A, %mul3A_1 : i32
    %mul3A_3 = arith.constant 30 : i32
    %mul3A_4 = arith.muli %mul3A_2, %mul3A_3 : i32
    "tpu.region"() ({
      %run_scoped3A = tpu.sem_alloc : memref<!tpu.dma_semaphore, #tpu.memory_space<semaphore_mem>>
      %dma_start3A = tpu.memref_slice %arg3[%mul3A_4] : memref<122880xi32, #tpu.memory_space<hbm>> -> memref<3840xi32, #tpu.memory_space<hbm>>
      %dma_start3A_11 = tpu.memref_slice %arg3[%mul3A_4] : memref<122880xi32, #tpu.memory_space<hbm>> -> memref<3840xi32, #tpu.memory_space<hbm>>
      tpu.enqueue_dma source(%dma_start3A_11 : memref<3840xi32, #tpu.memory_space<hbm>>) target(%arg5 : memref<3840xi32, #tpu.memory_space<vmem>>) target_semaphore(%run_scoped3A : memref<!tpu.dma_semaphore, #tpu.memory_space<semaphore_mem>>)
      %dma_wait3A = tpu.memref_slice %arg3[%mul3A_4] : memref<122880xi32, #tpu.memory_space<hbm>> -> memref<3840xi32, #tpu.memory_space<hbm>>
      %dma_wait3A_12 = tpu.memref_slice %arg3[%mul3A_4] : memref<122880xi32, #tpu.memory_space<hbm>> -> memref<3840xi32, #tpu.memory_space<hbm>>
      tpu.wait_dma2 semaphore(%run_scoped3A : memref<!tpu.dma_semaphore, #tpu.memory_space<semaphore_mem>>) src(%dma_wait3A_12 : memref<3840xi32, #tpu.memory_space<hbm>>) dst(%arg5 : memref<3840xi32, #tpu.memory_space<vmem>>)
      tpu.yield
    }) : () -> ()
    %scan3A = arith.constant 0 : i32
    %scan3A_5 = arith.constant 0 : i32
    %scan3A_6 = arith.constant 32 : i32
    %scan3A_7 = arith.addi %scan3A_5, %scan3A_6 : i32
    %scan3A_8 = arith.constant 1 : i32
    %scan3A_9 = scf.for %scan3A_11 = %scan3A_5 to %scan3A_7 step %scan3A_8 iter_args(%scan3A_12 = %scan3A) -> (i32)  : i32 {
      %rem3A = arith.constant 2 : i32
      %rem3A_13 = arith.remsi %scan3A_11, %rem3A : i32
      %mul3A_14 = arith.constant 4 : i32
      %mul3A_15 = arith.muli %scan3A_11, %mul3A_14 : i32
      %mul3A_16 = arith.constant 30 : i32
      %mul3A_17 = arith.muli %mul3A_15, %mul3A_16 : i32
      %dma_start3A = arith.constant 0 : i32
      %dma_start3A_18 = arith.constant 0 : i32
      %dma_start3A_19 = tpu.memref_slice %arg6[%rem3A_13, %dma_start3A, %dma_start3A_18] : memref<2x120x128xf32, #tpu.memory_space<vmem>> -> memref<1x120x128xf32, #tpu.memory_space<vmem>>
      %dma_start3A_20 = tpu.memref_squeeze %dma_start3A_19 : memref<1x120x128xf32, #tpu.memory_space<vmem>> -> memref<120x128xf32, #tpu.memory_space<vmem>>
      %dma_start3A_21 = tpu.memref_slice %arg5[%mul3A_17] : memref<3840xi32, #tpu.memory_space<vmem>> -> memref<120xi32, #tpu.memory_space<vmem>>
      %dma_start3A_22 = arith.constant 0 : i32
      %dma_start3A_23 = arith.constant 0 : i32
      %dma_start3A_24 = tpu.memref_slice %arg2[%dma_start3A_22, %dma_start3A_23] : memref<4096x128xf32, #tpu.memory_space<hbm>> -> memref<4096x128xf32, #tpu.memory_space<hbm>>
      tpu.enqueue_indirect_dma source(%dma_start3A_24 : memref<4096x128xf32, #tpu.memory_space<hbm>>) target(%dma_start3A_20 : memref<120x128xf32, #tpu.memory_space<vmem>>) offsets(%dma_start3A_21 : memref<120xi32, #tpu.memory_space<vmem>>) semaphore(%arg7 : memref<!tpu.dma_semaphore, #tpu.memory_space<semaphore_mem>>)
      %dma_wait3A = arith.constant 0 : i32
      %dma_wait3A_25 = arith.constant 0 : i32
      %dma_wait3A_26 = tpu.memref_slice %arg6[%rem3A_13, %dma_wait3A, %dma_wait3A_25] : memref<2x120x128xf32, #tpu.memory_space<vmem>> -> memref<1x120x128xf32, #tpu.memory_space<vmem>>
      %dma_wait3A_27 = tpu.memref_squeeze %dma_wait3A_26 : memref<1x120x128xf32, #tpu.memory_space<vmem>> -> memref<120x128xf32, #tpu.memory_space<vmem>>
      %dma_wait3A_28 = tpu.memref_slice %arg5[%mul3A_17] : memref<3840xi32, #tpu.memory_space<vmem>> -> memref<120xi32, #tpu.memory_space<vmem>>
      %dma_wait3A_29 = arith.constant 0 : i32
      %dma_wait3A_30 = arith.constant 0 : i32
      %dma_wait3A_31 = tpu.memref_slice %arg2[%dma_wait3A_29, %dma_wait3A_30] : memref<4096x128xf32, #tpu.memory_space<hbm>> -> memref<4096x128xf32, #tpu.memory_space<hbm>>
      tpu.wait_indirect_dma semaphore(%arg7 : memref<!tpu.dma_semaphore, #tpu.memory_space<semaphore_mem>>) src(%dma_wait3A_31 : memref<4096x128xf32, #tpu.memory_space<hbm>>) dst(%dma_wait3A_27 : memref<120x128xf32, #tpu.memory_space<vmem>>)
      %mul3A_32 = arith.constant 4 : i32
      %mul3A_33 = arith.muli %scan3A_11, %mul3A_32 : i32
      %add3A_34 = arith.addi %mul3A_2, %mul3A_33 : i32
      %mul3A_35 = arith.constant 30 : i32
      %mul3A_36 = arith.muli %add3A_34, %mul3A_35 : i32
      %dma_start3A_37 = arith.constant 0 : i32
      %dma_start3A_38 = arith.constant 0 : i32
      %dma_start3A_39 = tpu.memref_slice %arg6[%rem3A_13, %dma_start3A_37, %dma_start3A_38] : memref<2x120x128xf32, #tpu.memory_space<vmem>> -> memref<1x120x128xf32, #tpu.memory_space<vmem>>
      %dma_start3A_40 = tpu.memref_squeeze %dma_start3A_39 : memref<1x120x128xf32, #tpu.memory_space<vmem>> -> memref<120x128xf32, #tpu.memory_space<vmem>>
      %dma_start3A_41 = arith.constant 0 : i32
      %dma_start3A_42 = tpu.memref_slice %arg4[%mul3A_36, %dma_start3A_41] : memref<122880x128xf32, #tpu.memory_space<hbm>> -> memref<120x128xf32, #tpu.memory_space<hbm>>
      %dma_start3A_43 = arith.constant 0 : i32
      %dma_start3A_44 = tpu.memref_slice %arg4[%mul3A_36, %dma_start3A_43] : memref<122880x128xf32, #tpu.memory_space<hbm>> -> memref<120x128xf32, #tpu.memory_space<hbm>>
      %dma_start3A_45 = arith.constant 0 : i32
      %dma_start3A_46 = arith.constant 0 : i32
      %dma_start3A_47 = tpu.memref_slice %arg6[%rem3A_13, %dma_start3A_45, %dma_start3A_46] : memref<2x120x128xf32, #tpu.memory_space<vmem>> -> memref<1x120x128xf32, #tpu.memory_space<vmem>>
      %dma_start3A_48 = tpu.memref_squeeze %dma_start3A_47 : memref<1x120x128xf32, #tpu.memory_space<vmem>> -> memref<120x128xf32, #tpu.memory_space<vmem>>
      tpu.enqueue_dma source(%dma_start3A_48 : memref<120x128xf32, #tpu.memory_space<vmem>>) target(%dma_start3A_44 : memref<120x128xf32, #tpu.memory_space<hbm>>) target_semaphore(%arg8 : memref<!tpu.dma_semaphore, #tpu.memory_space<semaphore_mem>>)
      %dma_wait3A_49 = arith.constant 0 : i32
      %dma_wait3A_50 = arith.constant 0 : i32
      %dma_wait3A_51 = tpu.memref_slice %arg6[%rem3A_13, %dma_wait3A_49, %dma_wait3A_50] : memref<2x120x128xf32, #tpu.memory_space<vmem>> -> memref<1x120x128xf32, #tpu.memory_space<vmem>>
      %dma_wait3A_52 = tpu.memref_squeeze %dma_wait3A_51 : memref<1x120x128xf32, #tpu.memory_space<vmem>> -> memref<120x128xf32, #tpu.memory_space<vmem>>
      %dma_wait3A_53 = arith.constant 0 : i32
      %dma_wait3A_54 = tpu.memref_slice %arg4[%mul3A_36, %dma_wait3A_53] : memref<122880x128xf32, #tpu.memory_space<hbm>> -> memref<120x128xf32, #tpu.memory_space<hbm>>
      %dma_wait3A_55 = arith.constant 0 : i32
      %dma_wait3A_56 = tpu.memref_slice %arg4[%mul3A_36, %dma_wait3A_55] : memref<122880x128xf32, #tpu.memory_space<hbm>> -> memref<120x128xf32, #tpu.memory_space<hbm>>
      %dma_wait3A_57 = arith.constant 0 : i32
      %dma_wait3A_58 = arith.constant 0 : i32
      %dma_wait3A_59 = tpu.memref_slice %arg6[%rem3A_13, %dma_wait3A_57, %dma_wait3A_58] : memref<2x120x128xf32, #tpu.memory_space<vmem>> -> memref<1x120x128xf32, #tpu.memory_space<vmem>>
      %dma_wait3A_60 = tpu.memref_squeeze %dma_wait3A_59 : memref<1x120x128xf32, #tpu.memory_space<vmem>> -> memref<120x128xf32, #tpu.memory_space<vmem>>
      tpu.wait_dma2 semaphore(%arg8 : memref<!tpu.dma_semaphore, #tpu.memory_space<semaphore_mem>>) src(%dma_wait3A_60 : memref<120x128xf32, #tpu.memory_space<vmem>>) dst(%dma_wait3A_56 : memref<120x128xf32, #tpu.memory_space<hbm>>)
      %scan3A_61 = arith.constant 0 : i32
      scf.yield %scan3A_61 : i32
    }
    %scan3A_10 = arith.constant 32 : i32
    return
  }
}

module attributes {stable_mosaic.version = 14 : i64} {
  func.func @_knn_body(%arg0: i32, %arg1: i32, %arg2: memref<1x256x8xf32, #tpu.memory_space<vmem>>, %arg3: memref<1x8x2048xf32, #tpu.memory_space<vmem>>, %arg4: memref<1x256x1xf32, #tpu.memory_space<vmem>>, %arg5: memref<1x1x2048xf32, #tpu.memory_space<vmem>>, %arg6: memref<1x256x30xi32, #tpu.memory_space<vmem>>) attributes {dimension_semantics = [#tpu.dimension_semantics<arbitrary>, #tpu.dimension_semantics<arbitrary>], iteration_bounds = array<i64: 2, 8>, scalar_prefetch = 0 : i64, scratch_operands = 0 : i64, tpu.core_type = #tpu.core_type<tc>, window_params = [{transform_indices = @transform_0, window_bounds = array<i64: 1, 256, 8>}, {transform_indices = @transform_1, window_bounds = array<i64: 1, 8, 2048>}, {transform_indices = @transform_2, window_bounds = array<i64: 1, 256, 1>}, {transform_indices = @transform_3, window_bounds = array<i64: 1, 1, 2048>}, {transform_indices = @transform_4, window_bounds = array<i64: 1, 256, 30>}]} {
    %get3A = arith.constant 0 : index
    %get3A_0 = arith.constant 0 : index
    %get3A_1 = arith.constant 0 : index
    %get3A_2 = vector.load %arg2[%get3A, %get3A_0, %get3A_1] : memref<1x256x8xf32, #tpu.memory_space<vmem>>, vector<1x256x8xf32>
    %get3A_3 = vector.shape_cast %get3A_2 : vector<1x256x8xf32> to vector<256x8xf32>
    %get3A_4 = arith.constant 0 : index
    %get3A_5 = arith.constant 0 : index
    %get3A_6 = arith.constant 0 : index
    %get3A_7 = vector.load %arg3[%get3A_4, %get3A_5, %get3A_6] : memref<1x8x2048xf32, #tpu.memory_space<vmem>>, vector<1x8x2048xf32>
    %get3A_8 = vector.shape_cast %get3A_7 : vector<1x8x2048xf32> to vector<8x2048xf32>
    %dot_general3A = arith.constant dense<0.000000e+00> : vector<256x2048xf32>
    %dot_general3A_9 = tpu.matmul %get3A_3, %get3A_8, %dot_general3A {dimension_numbers = #tpu.dot_dimension_numbers<[1], [0], [0], [1], [0, 0, 1, 1], [], []>, transpose_lhs_hint = false} : vector<256x8xf32>, vector<8x2048xf32>, vector<256x2048xf32> -> vector<256x2048xf32>
    %get3A_10 = arith.constant 0 : index
    %get3A_11 = arith.constant 0 : index
    %get3A_12 = arith.constant 0 : index
    %get3A_13 = vector.load %arg4[%get3A_10, %get3A_11, %get3A_12] : memref<1x256x1xf32, #tpu.memory_space<vmem>>, vector<1x256x1xf32>
    %get3A_14 = vector.shape_cast %get3A_13 : vector<1x256x1xf32> to vector<256x1xf32>
    %mul3A = arith.constant 2.000000e+00 : f32
    %mul3A_15 = vector.broadcast %mul3A : f32 to vector<256x2048xf32>
    %mul3A_16 = arith.mulf %mul3A_15, %dot_general3A_9 : vector<256x2048xf32>
    %sub3A = vector.broadcast %get3A_14 : vector<256x1xf32> to vector<256x2048xf32>
    %sub3A_17 = arith.subf %sub3A, %mul3A_16 : vector<256x2048xf32>
    %get3A_18 = arith.constant 0 : index
    %get3A_19 = arith.constant 0 : index
    %get3A_20 = arith.constant 0 : index
    %get3A_21 = vector.load %arg5[%get3A_18, %get3A_19, %get3A_20] : memref<1x1x2048xf32, #tpu.memory_space<vmem>>, vector<1x1x2048xf32>
    %get3A_22 = vector.shape_cast %get3A_21 : vector<1x1x2048xf32> to vector<1x2048xf32>
    %add3A = vector.broadcast %get3A_22 : vector<1x2048xf32> to vector<256x2048xf32>
    %add3A_23 = arith.addf %sub3A_17, %add3A : vector<256x2048xf32>
    %iota3A = tpu.iota {dimensions = array<i32: 1>} : vector<256x2048xi32>
    %iota3A_24 = tpu.iota {dimensions = array<i32: 1>} : vector<256x30xi32>
    %broadcast_in_dim3A = arith.constant 0 : i32
    %broadcast_in_dim3A_25 = vector.broadcast %broadcast_in_dim3A : i32 to vector<256x30xi32>
    %scan3A = arith.constant 0 : i32
    %scan3A_26 = arith.constant 30 : i32
    %scan3A_27 = arith.addi %scan3A, %scan3A_26 : i32
    %scan3A_28 = arith.constant 1 : i32
    %scan3A_29:2 = scf.for %scan3A_36 = %scan3A to %scan3A_27 step %scan3A_28 iter_args(%scan3A_37 = %add3A_23, %scan3A_38 = %broadcast_in_dim3A_25) -> (vector<256x2048xf32>, vector<256x30xi32>)  : i32 {
      %argmin3A = tpu.reduce_index %scan3A_37 {axis = 1 : i32, kind = #tpu.reduction_kind<arg_min>} : vector<256x2048xf32> -> vector<256xi32>
      %broadcast_in_dim3A_39 = vector.shape_cast %argmin3A : vector<256xi32> to vector<256x1xi32>
      %eq3A = vector.broadcast %scan3A_36 : i32 to vector<256x30xi32>
      %eq3A_40 = arith.cmpi eq, %iota3A_24, %eq3A : vector<256x30xi32>
      %mul3A_41 = arith.constant 2048 : i32
      %mul3A_42 = arith.muli %arg0, %mul3A_41 : i32
      %add3A_43 = vector.broadcast %mul3A_42 : i32 to vector<256x1xi32>
      %add3A_44 = arith.addi %broadcast_in_dim3A_39, %add3A_43 : vector<256x1xi32>
      %broadcast_in_dim3A_45 = vector.shape_cast %add3A_44 : vector<256x1xi32> to vector<256x1xi32>
      %broadcast_in_dim3A_46 = vector.broadcast %broadcast_in_dim3A_45 : vector<256x1xi32> to vector<256x30xi32>
      %select_n3A = arith.select %eq3A_40, %broadcast_in_dim3A_46, %scan3A_38 : vector<256x30xi1>, vector<256x30xi32>
      %eq3A_47 = vector.broadcast %broadcast_in_dim3A_39 : vector<256x1xi32> to vector<256x2048xi32>
      %eq3A_48 = arith.cmpi eq, %iota3A, %eq3A_47 : vector<256x2048xi32>
      %jit3A = arith.constant 3.400000e+38 : f32
      %broadcast_in_dim3A_49 = vector.broadcast %jit3A : f32 to vector<256x2048xf32>
      %select_n3A_50 = arith.select %eq3A_48, %broadcast_in_dim3A_49, %scan3A_37 : vector<256x2048xi1>, vector<256x2048xf32>
      scf.yield %select_n3A_50, %select_n3A : vector<256x2048xf32>, vector<256x30xi32>
    }
    %scan3A_30 = arith.constant 30 : i32
    %swap3A = arith.constant 0 : index
    %swap3A_31 = arith.constant 0 : index
    %swap3A_32 = arith.constant 0 : index
    %swap3A_33 = vector.load %arg6[%swap3A, %swap3A_31, %swap3A_32] : memref<1x256x30xi32, #tpu.memory_space<vmem>>, vector<1x256x30xi32>
    %swap3A_34 = vector.shape_cast %swap3A_33 : vector<1x256x30xi32> to vector<256x30xi32>
    %swap3A_35 = vector.shape_cast %scan3A_29#1 : vector<256x30xi32> to vector<1x256x30xi32>
    tpu.vector_store %arg6[%swap3A, %swap3A_31, %swap3A_32], %swap3A_35 {strides = array<i32>} : memref<1x256x30xi32, #tpu.memory_space<vmem>>, vector<1x256x30xi32>,
    return
  }
  func.func @transform_0(%arg0: i32, %arg1: i32) -> (i32, i32, i32) {
    %c0_i32 = arith.constant 0 : i32
    %c0_i32_0 = arith.constant 0 : i32
    return %arg0, %arg1, %c0_i32 : i32, i32, i32
  }
  func.func @transform_1(%arg0: i32, %arg1: i32) -> (i32, i32, i32) {
    %c0_i32 = arith.constant 0 : i32
    %c0_i32_0 = arith.constant 0 : i32
    %c0_i32_1 = arith.constant 0 : i32
    return %arg0, %c0_i32, %c0_i32_0 : i32, i32, i32
  }
  func.func @transform_2(%arg0: i32, %arg1: i32) -> (i32, i32, i32) {
    %c0_i32 = arith.constant 0 : i32
    %c0_i32_0 = arith.constant 0 : i32
    return %arg0, %arg1, %c0_i32 : i32, i32, i32
  }
  func.func @transform_3(%arg0: i32, %arg1: i32) -> (i32, i32, i32) {
    %c0_i32 = arith.constant 0 : i32
    %c0_i32_0 = arith.constant 0 : i32
    %c0_i32_1 = arith.constant 0 : i32
    return %arg0, %c0_i32, %c0_i32_0 : i32, i32, i32
  }
  func.func @transform_4(%arg0: i32, %arg1: i32) -> (i32, i32, i32) {
    %c0_i32 = arith.constant 0 : i32
    %c0_i32_0 = arith.constant 0 : i32
    return %arg0, %arg1, %c0_i32 : i32, i32, i32
  }
}

module attributes {stable_mosaic.version = 14 : i64} {
  func.func @_conv_body(%arg0: i32, %arg1: i32, %arg2: i32, %arg3: memref<1x256x128xf32, #tpu.memory_space<vmem>>, %arg4: memref<6x256x128xf32, #tpu.memory_space<vmem>>, %arg5: memref<6x64xf32, #tpu.memory_space<vmem>>, %arg6: memref<1x256x64xf32, #tpu.memory_space<vmem>>, %arg7: memref<1x6x64x256xf32, #tpu.memory_space<vmem>>) attributes {dimension_semantics = [#tpu.dimension_semantics<arbitrary>, #tpu.dimension_semantics<arbitrary>, #tpu.dimension_semantics<arbitrary>], iteration_bounds = array<i64: 2, 8, 5>, scalar_prefetch = 0 : i64, scratch_operands = 0 : i64, tpu.core_type = #tpu.core_type<tc>, window_params = [{transform_indices = @transform_0, window_bounds = array<i64: 1, 256, 128>}, {transform_indices = @transform_1, window_bounds = array<i64: 6, 256, 128>}, {pipeline_mode = #tpu.pipeline_mode<synchronous>, transform_indices = @transform_2, window_bounds = array<i64: 6, 64>}, {transform_indices = @transform_3, window_bounds = array<i64: 1, 256, 64>}, {transform_indices = @transform_4, window_bounds = array<i64: 1, 6, 64, 256>}]} {
    %get3A = arith.constant 0 : index
    %get3A_0 = arith.constant 0 : index
    %get3A_1 = arith.constant 0 : index
    %get3A_2 = vector.load %arg3[%get3A, %get3A_0, %get3A_1] : memref<1x256x128xf32, #tpu.memory_space<vmem>>, vector<1x256x128xf32>
    %get3A_3 = vector.shape_cast %get3A_2 : vector<1x256x128xf32> to vector<256x128xf32>
    %get3A_4 = arith.constant 0 : index
    %get3A_5 = arith.constant 0 : index
    %get3A_6 = arith.constant 0 : index
    %get3A_7 = vector.load %arg4[%get3A_4, %get3A_5, %get3A_6] : memref<6x256x128xf32, #tpu.memory_space<vmem>>, vector<6x256x128xf32>
    %slice3A = vector.extract_strided_slice %get3A_3 {offsets = [0, 0], sizes = [256, 3], strides = [1, 1]} : vector<256x128xf32> to vector<256x3xf32>
    %slice3A_8 = vector.extract_strided_slice %get3A_7 {offsets = [0, 0, 0], sizes = [6, 256, 3], strides = [1, 1, 1]} : vector<6x256x128xf32> to vector<6x256x3xf32>
    %reshape3A = vector.shape_cast %slice3A_8 : vector<6x256x3xf32> to vector<1536x3xf32>
    %broadcast_in_dim3A = vector.shape_cast %slice3A : vector<256x3xf32> to vector<1x256x3xf32>
    %broadcast_in_dim3A_9 = vector.shape_cast %broadcast_in_dim3A : vector<1x256x3xf32> to vector<1x256x3xf32>
    %broadcast_in_dim3A_10 = vector.broadcast %broadcast_in_dim3A_9 : vector<1x256x3xf32> to vector<6x256x3xf32>
    %reshape3A_11 = vector.shape_cast %broadcast_in_dim3A_10 : vector<6x256x3xf32> to vector<1536x3xf32>
    %sub3A = arith.subf %reshape3A, %reshape3A_11 : vector<1536x3xf32>
    %concatenate3A = tpu.concatenate %reshape3A_11, %sub3A in 1 : vector<1536x3xf32>, vector<1536x3xf32> -> vector<1536x6xf32>
    %get3A_12 = arith.constant 0 : index
    %get3A_13 = arith.constant 0 : index
    %get3A_14 = vector.load %arg5[%get3A_12, %get3A_13] : memref<6x64xf32, #tpu.memory_space<vmem>>, vector<6x64xf32>
    %dot_general3A = arith.constant dense<0.000000e+00> : vector<1536x64xf32>
    %dot_general3A_15 = tpu.matmul %concatenate3A, %get3A_14, %dot_general3A {dimension_numbers = #tpu.dot_dimension_numbers<[1], [0], [0], [1], [0, 0, 1, 1], [], []>, transpose_lhs_hint = false} : vector<1536x6xf32>, vector<6x64xf32>, vector<1536x64xf32> -> vector<1536x64xf32>
    %transpose3A = tpu.transpose %dot_general3A_15, [1, 0] : vector<1536x64xf32> -> vector<64x1536xf32>
    %slice3A_16 = vector.extract_strided_slice %transpose3A {offsets = [0, 0], sizes = [64, 256], strides = [1, 1]} : vector<64x1536xf32> to vector<64x256xf32>
    %swap3A = arith.constant 0 : index
    %swap3A_17 = arith.constant 0 : index
    %swap3A_18 = arith.constant 0 : index
    %swap3A_19 = arith.constant 0 : index
    %swap3A_20 = vector.load %arg7[%swap3A, %swap3A_17, %swap3A_18, %swap3A_19] : memref<1x6x64x256xf32, #tpu.memory_space<vmem>>, vector<1x1x64x256xf32>
    %swap3A_21 = vector.shape_cast %swap3A_20 : vector<1x1x64x256xf32> to vector<64x256xf32>
    %swap3A_22 = vector.shape_cast %slice3A_16 : vector<64x256xf32> to vector<1x1x64x256xf32>
    tpu.vector_store %arg7[%swap3A, %swap3A_17, %swap3A_18, %swap3A_19], %swap3A_22 {strides = array<i32>} : memref<1x6x64x256xf32, #tpu.memory_space<vmem>>, vector<1x1x64x256xf32>,
    %slice3A_23 = vector.extract_strided_slice %transpose3A {offsets = [0, 256], sizes = [64, 256], strides = [1, 1]} : vector<64x1536xf32> to vector<64x256xf32>
    %swap3A_24 = arith.constant 0 : index
    %swap3A_25 = arith.constant 1 : index
    %swap3A_26 = arith.constant 0 : index
    %swap3A_27 = arith.constant 0 : index
    %swap3A_28 = vector.load %arg7[%swap3A_24, %swap3A_25, %swap3A_26, %swap3A_27] : memref<1x6x64x256xf32, #tpu.memory_space<vmem>>, vector<1x1x64x256xf32>
    %swap3A_29 = vector.shape_cast %swap3A_28 : vector<1x1x64x256xf32> to vector<64x256xf32>
    %swap3A_30 = vector.shape_cast %slice3A_23 : vector<64x256xf32> to vector<1x1x64x256xf32>
    tpu.vector_store %arg7[%swap3A_24, %swap3A_25, %swap3A_26, %swap3A_27], %swap3A_30 {strides = array<i32>} : memref<1x6x64x256xf32, #tpu.memory_space<vmem>>, vector<1x1x64x256xf32>,
    %slice3A_31 = vector.extract_strided_slice %transpose3A {offsets = [0, 512], sizes = [64, 256], strides = [1, 1]} : vector<64x1536xf32> to vector<64x256xf32>
    %swap3A_32 = arith.constant 0 : index
    %swap3A_33 = arith.constant 2 : index
    %swap3A_34 = arith.constant 0 : index
    %swap3A_35 = arith.constant 0 : index
    %swap3A_36 = vector.load %arg7[%swap3A_32, %swap3A_33, %swap3A_34, %swap3A_35] : memref<1x6x64x256xf32, #tpu.memory_space<vmem>>, vector<1x1x64x256xf32>
    %swap3A_37 = vector.shape_cast %swap3A_36 : vector<1x1x64x256xf32> to vector<64x256xf32>
    %swap3A_38 = vector.shape_cast %slice3A_31 : vector<64x256xf32> to vector<1x1x64x256xf32>
    tpu.vector_store %arg7[%swap3A_32, %swap3A_33, %swap3A_34, %swap3A_35], %swap3A_38 {strides = array<i32>} : memref<1x6x64x256xf32, #tpu.memory_space<vmem>>, vector<1x1x64x256xf32>,
    %slice3A_39 = vector.extract_strided_slice %transpose3A {offsets = [0, 768], sizes = [64, 256], strides = [1, 1]} : vector<64x1536xf32> to vector<64x256xf32>
    %swap3A_40 = arith.constant 0 : index
    %swap3A_41 = arith.constant 3 : index
    %swap3A_42 = arith.constant 0 : index
    %swap3A_43 = arith.constant 0 : index
    %swap3A_44 = vector.load %arg7[%swap3A_40, %swap3A_41, %swap3A_42, %swap3A_43] : memref<1x6x64x256xf32, #tpu.memory_space<vmem>>, vector<1x1x64x256xf32>
    %swap3A_45 = vector.shape_cast %swap3A_44 : vector<1x1x64x256xf32> to vector<64x256xf32>
    %swap3A_46 = vector.shape_cast %slice3A_39 : vector<64x256xf32> to vector<1x1x64x256xf32>
    tpu.vector_store %arg7[%swap3A_40, %swap3A_41, %swap3A_42, %swap3A_43], %swap3A_46 {strides = array<i32>} : memref<1x6x64x256xf32, #tpu.memory_space<vmem>>, vector<1x1x64x256xf32>,
    %slice3A_47 = vector.extract_strided_slice %transpose3A {offsets = [0, 1024], sizes = [64, 256], strides = [1, 1]} : vector<64x1536xf32> to vector<64x256xf32>
    %swap3A_48 = arith.constant 0 : index
    %swap3A_49 = arith.constant 4 : index
    %swap3A_50 = arith.constant 0 : index
    %swap3A_51 = arith.constant 0 : index
    %swap3A_52 = vector.load %arg7[%swap3A_48, %swap3A_49, %swap3A_50, %swap3A_51] : memref<1x6x64x256xf32, #tpu.memory_space<vmem>>, vector<1x1x64x256xf32>
    %swap3A_53 = vector.shape_cast %swap3A_52 : vector<1x1x64x256xf32> to vector<64x256xf32>
    %swap3A_54 = vector.shape_cast %slice3A_47 : vector<64x256xf32> to vector<1x1x64x256xf32>
    tpu.vector_store %arg7[%swap3A_48, %swap3A_49, %swap3A_50, %swap3A_51], %swap3A_54 {strides = array<i32>} : memref<1x6x64x256xf32, #tpu.memory_space<vmem>>, vector<1x1x64x256xf32>,
    %slice3A_55 = vector.extract_strided_slice %transpose3A {offsets = [0, 1280], sizes = [64, 256], strides = [1, 1]} : vector<64x1536xf32> to vector<64x256xf32>
    %swap3A_56 = arith.constant 0 : index
    %swap3A_57 = arith.constant 5 : index
    %swap3A_58 = arith.constant 0 : index
    %swap3A_59 = arith.constant 0 : index
    %swap3A_60 = vector.load %arg7[%swap3A_56, %swap3A_57, %swap3A_58, %swap3A_59] : memref<1x6x64x256xf32, #tpu.memory_space<vmem>>, vector<1x1x64x256xf32>
    %swap3A_61 = vector.shape_cast %swap3A_60 : vector<1x1x64x256xf32> to vector<64x256xf32>
    %swap3A_62 = vector.shape_cast %slice3A_55 : vector<64x256xf32> to vector<1x1x64x256xf32>
    tpu.vector_store %arg7[%swap3A_56, %swap3A_57, %swap3A_58, %swap3A_59], %swap3A_62 {strides = array<i32>} : memref<1x6x64x256xf32, #tpu.memory_space<vmem>>, vector<1x1x64x256xf32>,
    %reshape3A_63 = vector.shape_cast %dot_general3A_15 : vector<1536x64xf32> to vector<6x256x64xf32>
    %reduce_max3A = arith.constant dense<0xFF800000> : vector<256x64xf32>
    %reduce_max3A_64 = vector.multi_reduction <maximumf>, %reshape3A_63, %reduce_max3A [0] : vector<6x256x64xf32> to vector<256x64xf32>
    %eq3A = arith.constant 0 : i32
    %eq3A_65 = arith.cmpi eq, %arg2, %eq3A : i32
    %convert_element_type3A = arith.extui %eq3A_65 : i1 to i32
    %cond3A = arith.constant 0 : i32
    %cond3A_66 = arith.cmpi ne, %convert_element_type3A, %cond3A : i32
    scf.if %cond3A_66 {
      %swap3A_71 = arith.constant 0 : index
      %swap3A_72 = arith.constant 0 : index
      %swap3A_73 = arith.constant 0 : index
      %swap3A_74 = vector.load %arg6[%swap3A_71, %swap3A_72, %swap3A_73] : memref<1x256x64xf32, #tpu.memory_space<vmem>>, vector<1x256x64xf32>
      %swap3A_75 = vector.shape_cast %swap3A_74 : vector<1x256x64xf32> to vector<256x64xf32>
      %swap3A_76 = vector.shape_cast %reduce_max3A_64 : vector<256x64xf32> to vector<1x256x64xf32>
      tpu.vector_store %arg6[%swap3A_71, %swap3A_72, %swap3A_73], %swap3A_76 {strides = array<i32>} : memref<1x256x64xf32, #tpu.memory_space<vmem>>, vector<1x256x64xf32>,
    } else {
    }
    %gt3A = arith.constant 0 : i32
    %gt3A_67 = arith.cmpi sgt, %arg2, %gt3A : i32
    %convert_element_type3A_68 = arith.extui %gt3A_67 : i1 to i32
    %cond3A_69 = arith.constant 0 : i32
    %cond3A_70 = arith.cmpi ne, %convert_element_type3A_68, %cond3A_69 : i32
    scf.if %cond3A_70 {
      %get3A_71 = arith.constant 0 : index
      %get3A_72 = arith.constant 0 : index
      %get3A_73 = arith.constant 0 : index
      %get3A_74 = vector.load %arg6[%get3A_71, %get3A_72, %get3A_73] : memref<1x256x64xf32, #tpu.memory_space<vmem>>, vector<1x256x64xf32>
      %get3A_75 = vector.shape_cast %get3A_74 : vector<1x256x64xf32> to vector<256x64xf32>
      %max3A = arith.maximumf %get3A_75, %reduce_max3A_64 : vector<256x64xf32>
      %swap3A_76 = arith.constant 0 : index
      %swap3A_77 = arith.constant 0 : index
      %swap3A_78 = arith.constant 0 : index
      %swap3A_79 = vector.load %arg6[%swap3A_76, %swap3A_77, %swap3A_78] : memref<1x256x64xf32, #tpu.memory_space<vmem>>, vector<1x256x64xf32>
      %swap3A_80 = vector.shape_cast %swap3A_79 : vector<1x256x64xf32> to vector<256x64xf32>
      %swap3A_81 = vector.shape_cast %max3A : vector<256x64xf32> to vector<1x256x64xf32>
      tpu.vector_store %arg6[%swap3A_76, %swap3A_77, %swap3A_78], %swap3A_81 {strides = array<i32>} : memref<1x256x64xf32, #tpu.memory_space<vmem>>, vector<1x256x64xf32>,
    } else {
    }
    return
  }
  func.func @transform_0(%arg0: i32, %arg1: i32, %arg2: i32) -> (i32, i32, i32) {
    %c0_i32 = arith.constant 0 : i32
    %c0_i32_0 = arith.constant 0 : i32
    return %arg0, %arg1, %c0_i32 : i32, i32, i32
  }
  func.func @transform_1(%arg0: i32, %arg1: i32, %arg2: i32) -> (i32, i32, i32) {
    %mul3A = arith.constant 8 : i32
    %mul3A_0 = arith.muli %arg0, %mul3A : i32
    %add3A = arith.addi %mul3A_0, %arg1 : i32
    %c0_i32 = arith.constant 0 : i32
    %c0_i32_1 = arith.constant 0 : i32
    return %arg2, %add3A, %c0_i32 : i32, i32, i32
  }
  func.func @transform_2(%arg0: i32, %arg1: i32, %arg2: i32) -> (i32, i32) {
    %c0_i32 = arith.constant 0 : i32
    %c0_i32_0 = arith.constant 0 : i32
    %c0_i32_1 = arith.constant 0 : i32
    return %c0_i32, %c0_i32_0 : i32, i32
  }
  func.func @transform_3(%arg0: i32, %arg1: i32, %arg2: i32) -> (i32, i32, i32) {
    %c0_i32 = arith.constant 0 : i32
    %c0_i32_0 = arith.constant 0 : i32
    return %arg0, %arg1, %c0_i32 : i32, i32, i32
  }
  func.func @transform_4(%arg0: i32, %arg1: i32, %arg2: i32) -> (i32, i32, i32, i32) {
    %c0_i32 = arith.constant 0 : i32
    %c0_i32_0 = arith.constant 0 : i32
    return %arg0, %arg2, %c0_i32, %arg1 : i32, i32, i32, i32
  }
}

module attributes {stable_mosaic.version = 14 : i64} {
  func.func @_finalize_body(%arg0: memref<2x2048x64xf32, #tpu.memory_space<vmem>>, %arg1: memref<1x64xf32, #tpu.memory_space<vmem>>, %arg2: memref<1x64xf32, #tpu.memory_space<vmem>>, %arg3: memref<2x2048x64xf32, #tpu.memory_space<vmem>>) attributes {dimension_semantics = [], scalar_prefetch = 0 : i64, scratch_operands = 0 : i64, tpu.core_type = #tpu.core_type<tc>} {
    %get3A = arith.constant 0 : index
    %get3A_0 = arith.constant 0 : index
    %get3A_1 = arith.constant 0 : index
    %get3A_2 = vector.load %arg0[%get3A, %get3A_0, %get3A_1] : memref<2x2048x64xf32, #tpu.memory_space<vmem>>, vector<2x2048x64xf32>
    %get3A_3 = arith.constant 0 : index
    %get3A_4 = arith.constant 0 : index
    %get3A_5 = vector.load %arg1[%get3A_3, %get3A_4] : memref<1x64xf32, #tpu.memory_space<vmem>>, vector<1x64xf32>
    %get3A_6 = arith.constant 0 : index
    %get3A_7 = arith.constant 0 : index
    %get3A_8 = vector.load %arg2[%get3A_6, %get3A_7] : memref<1x64xf32, #tpu.memory_space<vmem>>, vector<1x64xf32>
    %add3A = arith.constant 9.99999974E-6 : f32
    %add3A_9 = vector.broadcast %add3A : f32 to vector<1x64xf32>
    %add3A_10 = arith.addf %get3A_8, %add3A_9 : vector<1x64xf32>
    %sqrt3A = math.sqrt %add3A_10 : vector<1x64xf32>
    %broadcast_in_dim3A = vector.shape_cast %get3A_5 : vector<1x64xf32> to vector<1x1x64xf32>
    %sub3A = vector.broadcast %broadcast_in_dim3A : vector<1x1x64xf32> to vector<2x2048x64xf32>
    %sub3A_11 = arith.subf %get3A_2, %sub3A : vector<2x2048x64xf32>
    %broadcast_in_dim3A_12 = vector.shape_cast %sqrt3A : vector<1x64xf32> to vector<1x1x64xf32>
    %div3A = vector.broadcast %broadcast_in_dim3A_12 : vector<1x1x64xf32> to vector<2x2048x64xf32>
    %div3A_13 = arith.divf %sub3A_11, %div3A : vector<2x2048x64xf32>
    %max3A = arith.constant 0.000000e+00 : f32
    %max3A_14 = vector.broadcast %max3A : f32 to vector<2x2048x64xf32>
    %max3A_15 = arith.maximumf %div3A_13, %max3A_14 : vector<2x2048x64xf32>
    %swap3A = arith.constant 0 : index
    %swap3A_16 = arith.constant 0 : index
    %swap3A_17 = arith.constant 0 : index
    %swap3A_18 = vector.load %arg3[%swap3A, %swap3A_16, %swap3A_17] : memref<2x2048x64xf32, #tpu.memory_space<vmem>>, vector<2x2048x64xf32>
    tpu.vector_store %arg3[%swap3A, %swap3A_16, %swap3A_17], %max3A_15 {strides = array<i32>} : memref<2x2048x64xf32, #tpu.memory_space<vmem>>, vector<2x2048x64xf32>,
    return
  }
}

module attributes {stable_mosaic.version = 14 : i64} {
  func.func @_knn_body(%arg0: i32, %arg1: i32, %arg2: memref<1x256x64xf32, #tpu.memory_space<vmem>>, %arg3: memref<1x64x2048xf32, #tpu.memory_space<vmem>>, %arg4: memref<1x256x1xf32, #tpu.memory_space<vmem>>, %arg5: memref<1x1x2048xf32, #tpu.memory_space<vmem>>, %arg6: memref<1x256x30xi32, #tpu.memory_space<vmem>>) attributes {dimension_semantics = [#tpu.dimension_semantics<arbitrary>, #tpu.dimension_semantics<arbitrary>], iteration_bounds = array<i64: 2, 8>, scalar_prefetch = 0 : i64, scratch_operands = 0 : i64, tpu.core_type = #tpu.core_type<tc>, window_params = [{transform_indices = @transform_0, window_bounds = array<i64: 1, 256, 64>}, {transform_indices = @transform_1, window_bounds = array<i64: 1, 64, 2048>}, {transform_indices = @transform_2, window_bounds = array<i64: 1, 256, 1>}, {transform_indices = @transform_3, window_bounds = array<i64: 1, 1, 2048>}, {transform_indices = @transform_4, window_bounds = array<i64: 1, 256, 30>}]} {
    %get3A = arith.constant 0 : index
    %get3A_0 = arith.constant 0 : index
    %get3A_1 = arith.constant 0 : index
    %get3A_2 = vector.load %arg2[%get3A, %get3A_0, %get3A_1] : memref<1x256x64xf32, #tpu.memory_space<vmem>>, vector<1x256x64xf32>
    %get3A_3 = vector.shape_cast %get3A_2 : vector<1x256x64xf32> to vector<256x64xf32>
    %get3A_4 = arith.constant 0 : index
    %get3A_5 = arith.constant 0 : index
    %get3A_6 = arith.constant 0 : index
    %get3A_7 = vector.load %arg3[%get3A_4, %get3A_5, %get3A_6] : memref<1x64x2048xf32, #tpu.memory_space<vmem>>, vector<1x64x2048xf32>
    %get3A_8 = vector.shape_cast %get3A_7 : vector<1x64x2048xf32> to vector<64x2048xf32>
    %dot_general3A = arith.constant dense<0.000000e+00> : vector<256x2048xf32>
    %dot_general3A_9 = tpu.matmul %get3A_3, %get3A_8, %dot_general3A {dimension_numbers = #tpu.dot_dimension_numbers<[1], [0], [0], [1], [0, 0, 1, 1], [], []>, transpose_lhs_hint = false} : vector<256x64xf32>, vector<64x2048xf32>, vector<256x2048xf32> -> vector<256x2048xf32>
    %get3A_10 = arith.constant 0 : index
    %get3A_11 = arith.constant 0 : index
    %get3A_12 = arith.constant 0 : index
    %get3A_13 = vector.load %arg4[%get3A_10, %get3A_11, %get3A_12] : memref<1x256x1xf32, #tpu.memory_space<vmem>>, vector<1x256x1xf32>
    %get3A_14 = vector.shape_cast %get3A_13 : vector<1x256x1xf32> to vector<256x1xf32>
    %mul3A = arith.constant 2.000000e+00 : f32
    %mul3A_15 = vector.broadcast %mul3A : f32 to vector<256x2048xf32>
    %mul3A_16 = arith.mulf %mul3A_15, %dot_general3A_9 : vector<256x2048xf32>
    %sub3A = vector.broadcast %get3A_14 : vector<256x1xf32> to vector<256x2048xf32>
    %sub3A_17 = arith.subf %sub3A, %mul3A_16 : vector<256x2048xf32>
    %get3A_18 = arith.constant 0 : index
    %get3A_19 = arith.constant 0 : index
    %get3A_20 = arith.constant 0 : index
    %get3A_21 = vector.load %arg5[%get3A_18, %get3A_19, %get3A_20] : memref<1x1x2048xf32, #tpu.memory_space<vmem>>, vector<1x1x2048xf32>
    %get3A_22 = vector.shape_cast %get3A_21 : vector<1x1x2048xf32> to vector<1x2048xf32>
    %add3A = vector.broadcast %get3A_22 : vector<1x2048xf32> to vector<256x2048xf32>
    %add3A_23 = arith.addf %sub3A_17, %add3A : vector<256x2048xf32>
    %iota3A = tpu.iota {dimensions = array<i32: 1>} : vector<256x2048xi32>
    %iota3A_24 = tpu.iota {dimensions = array<i32: 1>} : vector<256x30xi32>
    %broadcast_in_dim3A = arith.constant 0 : i32
    %broadcast_in_dim3A_25 = vector.broadcast %broadcast_in_dim3A : i32 to vector<256x30xi32>
    %scan3A = arith.constant 0 : i32
    %scan3A_26 = arith.constant 30 : i32
    %scan3A_27 = arith.addi %scan3A, %scan3A_26 : i32
    %scan3A_28 = arith.constant 1 : i32
    %scan3A_29:2 = scf.for %scan3A_36 = %scan3A to %scan3A_27 step %scan3A_28 iter_args(%scan3A_37 = %add3A_23, %scan3A_38 = %broadcast_in_dim3A_25) -> (vector<256x2048xf32>, vector<256x30xi32>)  : i32 {
      %argmin3A = tpu.reduce_index %scan3A_37 {axis = 1 : i32, kind = #tpu.reduction_kind<arg_min>} : vector<256x2048xf32> -> vector<256xi32>
      %broadcast_in_dim3A_39 = vector.shape_cast %argmin3A : vector<256xi32> to vector<256x1xi32>
      %eq3A = vector.broadcast %scan3A_36 : i32 to vector<256x30xi32>
      %eq3A_40 = arith.cmpi eq, %iota3A_24, %eq3A : vector<256x30xi32>
      %mul3A_41 = arith.constant 2048 : i32
      %mul3A_42 = arith.muli %arg0, %mul3A_41 : i32
      %add3A_43 = vector.broadcast %mul3A_42 : i32 to vector<256x1xi32>
      %add3A_44 = arith.addi %broadcast_in_dim3A_39, %add3A_43 : vector<256x1xi32>
      %broadcast_in_dim3A_45 = vector.shape_cast %add3A_44 : vector<256x1xi32> to vector<256x1xi32>
      %broadcast_in_dim3A_46 = vector.broadcast %broadcast_in_dim3A_45 : vector<256x1xi32> to vector<256x30xi32>
      %select_n3A = arith.select %eq3A_40, %broadcast_in_dim3A_46, %scan3A_38 : vector<256x30xi1>, vector<256x30xi32>
      %eq3A_47 = vector.broadcast %broadcast_in_dim3A_39 : vector<256x1xi32> to vector<256x2048xi32>
      %eq3A_48 = arith.cmpi eq, %iota3A, %eq3A_47 : vector<256x2048xi32>
      %jit3A = arith.constant 3.400000e+38 : f32
      %broadcast_in_dim3A_49 = vector.broadcast %jit3A : f32 to vector<256x2048xf32>
      %select_n3A_50 = arith.select %eq3A_48, %broadcast_in_dim3A_49, %scan3A_37 : vector<256x2048xi1>, vector<256x2048xf32>
      scf.yield %select_n3A_50, %select_n3A : vector<256x2048xf32>, vector<256x30xi32>
    }
    %scan3A_30 = arith.constant 30 : i32
    %swap3A = arith.constant 0 : index
    %swap3A_31 = arith.constant 0 : index
    %swap3A_32 = arith.constant 0 : index
    %swap3A_33 = vector.load %arg6[%swap3A, %swap3A_31, %swap3A_32] : memref<1x256x30xi32, #tpu.memory_space<vmem>>, vector<1x256x30xi32>
    %swap3A_34 = vector.shape_cast %swap3A_33 : vector<1x256x30xi32> to vector<256x30xi32>
    %swap3A_35 = vector.shape_cast %scan3A_29#1 : vector<256x30xi32> to vector<1x256x30xi32>
    tpu.vector_store %arg6[%swap3A, %swap3A_31, %swap3A_32], %swap3A_35 {strides = array<i32>} : memref<1x256x30xi32, #tpu.memory_space<vmem>>, vector<1x256x30xi32>,
    return
  }
  func.func @transform_0(%arg0: i32, %arg1: i32) -> (i32, i32, i32) {
    %c0_i32 = arith.constant 0 : i32
    %c0_i32_0 = arith.constant 0 : i32
    return %arg0, %arg1, %c0_i32 : i32, i32, i32
  }
  func.func @transform_1(%arg0: i32, %arg1: i32) -> (i32, i32, i32) {
    %c0_i32 = arith.constant 0 : i32
    %c0_i32_0 = arith.constant 0 : i32
    %c0_i32_1 = arith.constant 0 : i32
    return %arg0, %c0_i32, %c0_i32_0 : i32, i32, i32
  }
  func.func @transform_2(%arg0: i32, %arg1: i32) -> (i32, i32, i32) {
    %c0_i32 = arith.constant 0 : i32
    %c0_i32_0 = arith.constant 0 : i32
    return %arg0, %arg1, %c0_i32 : i32, i32, i32
  }
  func.func @transform_3(%arg0: i32, %arg1: i32) -> (i32, i32, i32) {
    %c0_i32 = arith.constant 0 : i32
    %c0_i32_0 = arith.constant 0 : i32
    %c0_i32_1 = arith.constant 0 : i32
    return %arg0, %c0_i32, %c0_i32_0 : i32, i32, i32
  }
  func.func @transform_4(%arg0: i32, %arg1: i32) -> (i32, i32, i32) {
    %c0_i32 = arith.constant 0 : i32
    %c0_i32_0 = arith.constant 0 : i32
    return %arg0, %arg1, %c0_i32 : i32, i32, i32
  }
}

module attributes {stable_mosaic.version = 14 : i64} {
  func.func @_conv_body(%arg0: i32, %arg1: i32, %arg2: i32, %arg3: memref<1x256x128xf32, #tpu.memory_space<vmem>>, %arg4: memref<6x256x128xf32, #tpu.memory_space<vmem>>, %arg5: memref<128x64xf32, #tpu.memory_space<vmem>>, %arg6: memref<1x256x64xf32, #tpu.memory_space<vmem>>, %arg7: memref<1x6x64x256xf32, #tpu.memory_space<vmem>>) attributes {dimension_semantics = [#tpu.dimension_semantics<arbitrary>, #tpu.dimension_semantics<arbitrary>, #tpu.dimension_semantics<arbitrary>], iteration_bounds = array<i64: 2, 8, 5>, scalar_prefetch = 0 : i64, scratch_operands = 0 : i64, tpu.core_type = #tpu.core_type<tc>, window_params = [{transform_indices = @transform_0, window_bounds = array<i64: 1, 256, 128>}, {transform_indices = @transform_1, window_bounds = array<i64: 6, 256, 128>}, {pipeline_mode = #tpu.pipeline_mode<synchronous>, transform_indices = @transform_2, window_bounds = array<i64: 128, 64>}, {transform_indices = @transform_3, window_bounds = array<i64: 1, 256, 64>}, {transform_indices = @transform_4, window_bounds = array<i64: 1, 6, 64, 256>}]} {
    %get3A = arith.constant 0 : index
    %get3A_0 = arith.constant 0 : index
    %get3A_1 = arith.constant 0 : index
    %get3A_2 = vector.load %arg3[%get3A, %get3A_0, %get3A_1] : memref<1x256x128xf32, #tpu.memory_space<vmem>>, vector<1x256x128xf32>
    %get3A_3 = vector.shape_cast %get3A_2 : vector<1x256x128xf32> to vector<256x128xf32>
    %get3A_4 = arith.constant 0 : index
    %get3A_5 = arith.constant 0 : index
    %get3A_6 = arith.constant 0 : index
    %get3A_7 = vector.load %arg4[%get3A_4, %get3A_5, %get3A_6] : memref<6x256x128xf32, #tpu.memory_space<vmem>>, vector<6x256x128xf32>
    %slice3A = vector.extract_strided_slice %get3A_3 {offsets = [0, 0], sizes = [256, 64], strides = [1, 1]} : vector<256x128xf32> to vector<256x64xf32>
    %slice3A_8 = vector.extract_strided_slice %get3A_7 {offsets = [0, 0, 0], sizes = [6, 256, 64], strides = [1, 1, 1]} : vector<6x256x128xf32> to vector<6x256x64xf32>
    %reshape3A = vector.shape_cast %slice3A_8 : vector<6x256x64xf32> to vector<1536x64xf32>
    %broadcast_in_dim3A = vector.shape_cast %slice3A : vector<256x64xf32> to vector<1x256x64xf32>
    %broadcast_in_dim3A_9 = vector.shape_cast %broadcast_in_dim3A : vector<1x256x64xf32> to vector<1x256x64xf32>
    %broadcast_in_dim3A_10 = vector.broadcast %broadcast_in_dim3A_9 : vector<1x256x64xf32> to vector<6x256x64xf32>
    %reshape3A_11 = vector.shape_cast %broadcast_in_dim3A_10 : vector<6x256x64xf32> to vector<1536x64xf32>
    %sub3A = arith.subf %reshape3A, %reshape3A_11 : vector<1536x64xf32>
    %concatenate3A = tpu.concatenate %reshape3A_11, %sub3A in 1 : vector<1536x64xf32>, vector<1536x64xf32> -> vector<1536x128xf32>
    %get3A_12 = arith.constant 0 : index
    %get3A_13 = arith.constant 0 : index
    %get3A_14 = vector.load %arg5[%get3A_12, %get3A_13] : memref<128x64xf32, #tpu.memory_space<vmem>>, vector<128x64xf32>
    %dot_general3A = arith.constant dense<0.000000e+00> : vector<1536x64xf32>
    %dot_general3A_15 = tpu.matmul %concatenate3A, %get3A_14, %dot_general3A {dimension_numbers = #tpu.dot_dimension_numbers<[1], [0], [0], [1], [0, 0, 1, 1], [], []>, transpose_lhs_hint = false} : vector<1536x128xf32>, vector<128x64xf32>, vector<1536x64xf32> -> vector<1536x64xf32>
    %transpose3A = tpu.transpose %dot_general3A_15, [1, 0] : vector<1536x64xf32> -> vector<64x1536xf32>
    %slice3A_16 = vector.extract_strided_slice %transpose3A {offsets = [0, 0], sizes = [64, 256], strides = [1, 1]} : vector<64x1536xf32> to vector<64x256xf32>
    %swap3A = arith.constant 0 : index
    %swap3A_17 = arith.constant 0 : index
    %swap3A_18 = arith.constant 0 : index
    %swap3A_19 = arith.constant 0 : index
    %swap3A_20 = vector.load %arg7[%swap3A, %swap3A_17, %swap3A_18, %swap3A_19] : memref<1x6x64x256xf32, #tpu.memory_space<vmem>>, vector<1x1x64x256xf32>
    %swap3A_21 = vector.shape_cast %swap3A_20 : vector<1x1x64x256xf32> to vector<64x256xf32>
    %swap3A_22 = vector.shape_cast %slice3A_16 : vector<64x256xf32> to vector<1x1x64x256xf32>
    tpu.vector_store %arg7[%swap3A, %swap3A_17, %swap3A_18, %swap3A_19], %swap3A_22 {strides = array<i32>} : memref<1x6x64x256xf32, #tpu.memory_space<vmem>>, vector<1x1x64x256xf32>,
    %slice3A_23 = vector.extract_strided_slice %transpose3A {offsets = [0, 256], sizes = [64, 256], strides = [1, 1]} : vector<64x1536xf32> to vector<64x256xf32>
    %swap3A_24 = arith.constant 0 : index
    %swap3A_25 = arith.constant 1 : index
    %swap3A_26 = arith.constant 0 : index
    %swap3A_27 = arith.constant 0 : index
    %swap3A_28 = vector.load %arg7[%swap3A_24, %swap3A_25, %swap3A_26, %swap3A_27] : memref<1x6x64x256xf32, #tpu.memory_space<vmem>>, vector<1x1x64x256xf32>
    %swap3A_29 = vector.shape_cast %swap3A_28 : vector<1x1x64x256xf32> to vector<64x256xf32>
    %swap3A_30 = vector.shape_cast %slice3A_23 : vector<64x256xf32> to vector<1x1x64x256xf32>
    tpu.vector_store %arg7[%swap3A_24, %swap3A_25, %swap3A_26, %swap3A_27], %swap3A_30 {strides = array<i32>} : memref<1x6x64x256xf32, #tpu.memory_space<vmem>>, vector<1x1x64x256xf32>,
    %slice3A_31 = vector.extract_strided_slice %transpose3A {offsets = [0, 512], sizes = [64, 256], strides = [1, 1]} : vector<64x1536xf32> to vector<64x256xf32>
    %swap3A_32 = arith.constant 0 : index
    %swap3A_33 = arith.constant 2 : index
    %swap3A_34 = arith.constant 0 : index
    %swap3A_35 = arith.constant 0 : index
    %swap3A_36 = vector.load %arg7[%swap3A_32, %swap3A_33, %swap3A_34, %swap3A_35] : memref<1x6x64x256xf32, #tpu.memory_space<vmem>>, vector<1x1x64x256xf32>
    %swap3A_37 = vector.shape_cast %swap3A_36 : vector<1x1x64x256xf32> to vector<64x256xf32>
    %swap3A_38 = vector.shape_cast %slice3A_31 : vector<64x256xf32> to vector<1x1x64x256xf32>
    tpu.vector_store %arg7[%swap3A_32, %swap3A_33, %swap3A_34, %swap3A_35], %swap3A_38 {strides = array<i32>} : memref<1x6x64x256xf32, #tpu.memory_space<vmem>>, vector<1x1x64x256xf32>,
    %slice3A_39 = vector.extract_strided_slice %transpose3A {offsets = [0, 768], sizes = [64, 256], strides = [1, 1]} : vector<64x1536xf32> to vector<64x256xf32>
    %swap3A_40 = arith.constant 0 : index
    %swap3A_41 = arith.constant 3 : index
    %swap3A_42 = arith.constant 0 : index
    %swap3A_43 = arith.constant 0 : index
    %swap3A_44 = vector.load %arg7[%swap3A_40, %swap3A_41, %swap3A_42, %swap3A_43] : memref<1x6x64x256xf32, #tpu.memory_space<vmem>>, vector<1x1x64x256xf32>
    %swap3A_45 = vector.shape_cast %swap3A_44 : vector<1x1x64x256xf32> to vector<64x256xf32>
    %swap3A_46 = vector.shape_cast %slice3A_39 : vector<64x256xf32> to vector<1x1x64x256xf32>
    tpu.vector_store %arg7[%swap3A_40, %swap3A_41, %swap3A_42, %swap3A_43], %swap3A_46 {strides = array<i32>} : memref<1x6x64x256xf32, #tpu.memory_space<vmem>>, vector<1x1x64x256xf32>,
    %slice3A_47 = vector.extract_strided_slice %transpose3A {offsets = [0, 1024], sizes = [64, 256], strides = [1, 1]} : vector<64x1536xf32> to vector<64x256xf32>
    %swap3A_48 = arith.constant 0 : index
    %swap3A_49 = arith.constant 4 : index
    %swap3A_50 = arith.constant 0 : index
    %swap3A_51 = arith.constant 0 : index
    %swap3A_52 = vector.load %arg7[%swap3A_48, %swap3A_49, %swap3A_50, %swap3A_51] : memref<1x6x64x256xf32, #tpu.memory_space<vmem>>, vector<1x1x64x256xf32>
    %swap3A_53 = vector.shape_cast %swap3A_52 : vector<1x1x64x256xf32> to vector<64x256xf32>
    %swap3A_54 = vector.shape_cast %slice3A_47 : vector<64x256xf32> to vector<1x1x64x256xf32>
    tpu.vector_store %arg7[%swap3A_48, %swap3A_49, %swap3A_50, %swap3A_51], %swap3A_54 {strides = array<i32>} : memref<1x6x64x256xf32, #tpu.memory_space<vmem>>, vector<1x1x64x256xf32>,
    %slice3A_55 = vector.extract_strided_slice %transpose3A {offsets = [0, 1280], sizes = [64, 256], strides = [1, 1]} : vector<64x1536xf32> to vector<64x256xf32>
    %swap3A_56 = arith.constant 0 : index
    %swap3A_57 = arith.constant 5 : index
    %swap3A_58 = arith.constant 0 : index
    %swap3A_59 = arith.constant 0 : index
    %swap3A_60 = vector.load %arg7[%swap3A_56, %swap3A_57, %swap3A_58, %swap3A_59] : memref<1x6x64x256xf32, #tpu.memory_space<vmem>>, vector<1x1x64x256xf32>
    %swap3A_61 = vector.shape_cast %swap3A_60 : vector<1x1x64x256xf32> to vector<64x256xf32>
    %swap3A_62 = vector.shape_cast %slice3A_55 : vector<64x256xf32> to vector<1x1x64x256xf32>
    tpu.vector_store %arg7[%swap3A_56, %swap3A_57, %swap3A_58, %swap3A_59], %swap3A_62 {strides = array<i32>} : memref<1x6x64x256xf32, #tpu.memory_space<vmem>>, vector<1x1x64x256xf32>,
    %reshape3A_63 = vector.shape_cast %dot_general3A_15 : vector<1536x64xf32> to vector<6x256x64xf32>
    %reduce_max3A = arith.constant dense<0xFF800000> : vector<256x64xf32>
    %reduce_max3A_64 = vector.multi_reduction <maximumf>, %reshape3A_63, %reduce_max3A [0] : vector<6x256x64xf32> to vector<256x64xf32>
    %eq3A = arith.constant 0 : i32
    %eq3A_65 = arith.cmpi eq, %arg2, %eq3A : i32
    %convert_element_type3A = arith.extui %eq3A_65 : i1 to i32
    %cond3A = arith.constant 0 : i32
    %cond3A_66 = arith.cmpi ne, %convert_element_type3A, %cond3A : i32
    scf.if %cond3A_66 {
      %swap3A_71 = arith.constant 0 : index
      %swap3A_72 = arith.constant 0 : index
      %swap3A_73 = arith.constant 0 : index
      %swap3A_74 = vector.load %arg6[%swap3A_71, %swap3A_72, %swap3A_73] : memref<1x256x64xf32, #tpu.memory_space<vmem>>, vector<1x256x64xf32>
      %swap3A_75 = vector.shape_cast %swap3A_74 : vector<1x256x64xf32> to vector<256x64xf32>
      %swap3A_76 = vector.shape_cast %reduce_max3A_64 : vector<256x64xf32> to vector<1x256x64xf32>
      tpu.vector_store %arg6[%swap3A_71, %swap3A_72, %swap3A_73], %swap3A_76 {strides = array<i32>} : memref<1x256x64xf32, #tpu.memory_space<vmem>>, vector<1x256x64xf32>,
    } else {
    }
    %gt3A = arith.constant 0 : i32
    %gt3A_67 = arith.cmpi sgt, %arg2, %gt3A : i32
    %convert_element_type3A_68 = arith.extui %gt3A_67 : i1 to i32
    %cond3A_69 = arith.constant 0 : i32
    %cond3A_70 = arith.cmpi ne, %convert_element_type3A_68, %cond3A_69 : i32
    scf.if %cond3A_70 {
      %get3A_71 = arith.constant 0 : index
      %get3A_72 = arith.constant 0 : index
      %get3A_73 = arith.constant 0 : index
      %get3A_74 = vector.load %arg6[%get3A_71, %get3A_72, %get3A_73] : memref<1x256x64xf32, #tpu.memory_space<vmem>>, vector<1x256x64xf32>
      %get3A_75 = vector.shape_cast %get3A_74 : vector<1x256x64xf32> to vector<256x64xf32>
      %max3A = arith.maximumf %get3A_75, %reduce_max3A_64 : vector<256x64xf32>
      %swap3A_76 = arith.constant 0 : index
      %swap3A_77 = arith.constant 0 : index
      %swap3A_78 = arith.constant 0 : index
      %swap3A_79 = vector.load %arg6[%swap3A_76, %swap3A_77, %swap3A_78] : memref<1x256x64xf32, #tpu.memory_space<vmem>>, vector<1x256x64xf32>
      %swap3A_80 = vector.shape_cast %swap3A_79 : vector<1x256x64xf32> to vector<256x64xf32>
      %swap3A_81 = vector.shape_cast %max3A : vector<256x64xf32> to vector<1x256x64xf32>
      tpu.vector_store %arg6[%swap3A_76, %swap3A_77, %swap3A_78], %swap3A_81 {strides = array<i32>} : memref<1x256x64xf32, #tpu.memory_space<vmem>>, vector<1x256x64xf32>,
    } else {
    }
    return
  }
  func.func @transform_0(%arg0: i32, %arg1: i32, %arg2: i32) -> (i32, i32, i32) {
    %c0_i32 = arith.constant 0 : i32
    %c0_i32_0 = arith.constant 0 : i32
    return %arg0, %arg1, %c0_i32 : i32, i32, i32
  }
  func.func @transform_1(%arg0: i32, %arg1: i32, %arg2: i32) -> (i32, i32, i32) {
    %mul3A = arith.constant 8 : i32
    %mul3A_0 = arith.muli %arg0, %mul3A : i32
    %add3A = arith.addi %mul3A_0, %arg1 : i32
    %c0_i32 = arith.constant 0 : i32
    %c0_i32_1 = arith.constant 0 : i32
    return %arg2, %add3A, %c0_i32 : i32, i32, i32
  }
  func.func @transform_2(%arg0: i32, %arg1: i32, %arg2: i32) -> (i32, i32) {
    %c0_i32 = arith.constant 0 : i32
    %c0_i32_0 = arith.constant 0 : i32
    %c0_i32_1 = arith.constant 0 : i32
    return %c0_i32, %c0_i32_0 : i32, i32
  }
  func.func @transform_3(%arg0: i32, %arg1: i32, %arg2: i32) -> (i32, i32, i32) {
    %c0_i32 = arith.constant 0 : i32
    %c0_i32_0 = arith.constant 0 : i32
    return %arg0, %arg1, %c0_i32 : i32, i32, i32
  }
  func.func @transform_4(%arg0: i32, %arg1: i32, %arg2: i32) -> (i32, i32, i32, i32) {
    %c0_i32 = arith.constant 0 : i32
    %c0_i32_0 = arith.constant 0 : i32
    return %arg0, %arg2, %c0_i32, %arg1 : i32, i32, i32, i32
  }
}

module attributes {stable_mosaic.version = 14 : i64} {
  func.func @_conv_body(%arg0: i32, %arg1: i32, %arg2: i32, %arg3: memref<1x256x128xf32, #tpu.memory_space<vmem>>, %arg4: memref<6x256x128xf32, #tpu.memory_space<vmem>>, %arg5: memref<128x128xf32, #tpu.memory_space<vmem>>, %arg6: memref<1x256x128xf32, #tpu.memory_space<vmem>>, %arg7: memref<1x6x128x256xf32, #tpu.memory_space<vmem>>) attributes {dimension_semantics = [#tpu.dimension_semantics<arbitrary>, #tpu.dimension_semantics<arbitrary>, #tpu.dimension_semantics<arbitrary>], iteration_bounds = array<i64: 2, 8, 5>, scalar_prefetch = 0 : i64, scratch_operands = 0 : i64, tpu.core_type = #tpu.core_type<tc>, window_params = [{transform_indices = @transform_0, window_bounds = array<i64: 1, 256, 128>}, {transform_indices = @transform_1, window_bounds = array<i64: 6, 256, 128>}, {pipeline_mode = #tpu.pipeline_mode<synchronous>, transform_indices = @transform_2, window_bounds = array<i64: 128, 128>}, {transform_indices = @transform_3, window_bounds = array<i64: 1, 256, 128>}, {transform_indices = @transform_4, window_bounds = array<i64: 1, 6, 128, 256>}]} {
    %get3A = arith.constant 0 : index
    %get3A_0 = arith.constant 0 : index
    %get3A_1 = arith.constant 0 : index
    %get3A_2 = vector.load %arg3[%get3A, %get3A_0, %get3A_1] : memref<1x256x128xf32, #tpu.memory_space<vmem>>, vector<1x256x128xf32>
    %get3A_3 = vector.shape_cast %get3A_2 : vector<1x256x128xf32> to vector<256x128xf32>
    %get3A_4 = arith.constant 0 : index
    %get3A_5 = arith.constant 0 : index
    %get3A_6 = arith.constant 0 : index
    %get3A_7 = vector.load %arg4[%get3A_4, %get3A_5, %get3A_6] : memref<6x256x128xf32, #tpu.memory_space<vmem>>, vector<6x256x128xf32>
    %slice3A = vector.extract_strided_slice %get3A_3 {offsets = [0, 0], sizes = [256, 64], strides = [1, 1]} : vector<256x128xf32> to vector<256x64xf32>
    %slice3A_8 = vector.extract_strided_slice %get3A_7 {offsets = [0, 0, 0], sizes = [6, 256, 64], strides = [1, 1, 1]} : vector<6x256x128xf32> to vector<6x256x64xf32>
    %reshape3A = vector.shape_cast %slice3A_8 : vector<6x256x64xf32> to vector<1536x64xf32>
    %broadcast_in_dim3A = vector.shape_cast %slice3A : vector<256x64xf32> to vector<1x256x64xf32>
    %broadcast_in_dim3A_9 = vector.shape_cast %broadcast_in_dim3A : vector<1x256x64xf32> to vector<1x256x64xf32>
    %broadcast_in_dim3A_10 = vector.broadcast %broadcast_in_dim3A_9 : vector<1x256x64xf32> to vector<6x256x64xf32>
    %reshape3A_11 = vector.shape_cast %broadcast_in_dim3A_10 : vector<6x256x64xf32> to vector<1536x64xf32>
    %sub3A = arith.subf %reshape3A, %reshape3A_11 : vector<1536x64xf32>
    %concatenate3A = tpu.concatenate %reshape3A_11, %sub3A in 1 : vector<1536x64xf32>, vector<1536x64xf32> -> vector<1536x128xf32>
    %get3A_12 = arith.constant 0 : index
    %get3A_13 = arith.constant 0 : index
    %get3A_14 = vector.load %arg5[%get3A_12, %get3A_13] : memref<128x128xf32, #tpu.memory_space<vmem>>, vector<128x128xf32>
    %dot_general3A = arith.constant dense<0.000000e+00> : vector<1536x128xf32>
    %dot_general3A_15 = tpu.matmul %concatenate3A, %get3A_14, %dot_general3A {dimension_numbers = #tpu.dot_dimension_numbers<[1], [0], [0], [1], [0, 0, 1, 1], [], []>, transpose_lhs_hint = false} : vector<1536x128xf32>, vector<128x128xf32>, vector<1536x128xf32> -> vector<1536x128xf32>
    %transpose3A = tpu.transpose %dot_general3A_15, [1, 0] : vector<1536x128xf32> -> vector<128x1536xf32>
    %slice3A_16 = vector.extract_strided_slice %transpose3A {offsets = [0, 0], sizes = [128, 256], strides = [1, 1]} : vector<128x1536xf32> to vector<128x256xf32>
    %swap3A = arith.constant 0 : index
    %swap3A_17 = arith.constant 0 : index
    %swap3A_18 = arith.constant 0 : index
    %swap3A_19 = arith.constant 0 : index
    %swap3A_20 = vector.load %arg7[%swap3A, %swap3A_17, %swap3A_18, %swap3A_19] : memref<1x6x128x256xf32, #tpu.memory_space<vmem>>, vector<1x1x128x256xf32>
    %swap3A_21 = vector.shape_cast %swap3A_20 : vector<1x1x128x256xf32> to vector<128x256xf32>
    %swap3A_22 = vector.shape_cast %slice3A_16 : vector<128x256xf32> to vector<1x1x128x256xf32>
    tpu.vector_store %arg7[%swap3A, %swap3A_17, %swap3A_18, %swap3A_19], %swap3A_22 {strides = array<i32>} : memref<1x6x128x256xf32, #tpu.memory_space<vmem>>, vector<1x1x128x256xf32>,
    %slice3A_23 = vector.extract_strided_slice %transpose3A {offsets = [0, 256], sizes = [128, 256], strides = [1, 1]} : vector<128x1536xf32> to vector<128x256xf32>
    %swap3A_24 = arith.constant 0 : index
    %swap3A_25 = arith.constant 1 : index
    %swap3A_26 = arith.constant 0 : index
    %swap3A_27 = arith.constant 0 : index
    %swap3A_28 = vector.load %arg7[%swap3A_24, %swap3A_25, %swap3A_26, %swap3A_27] : memref<1x6x128x256xf32, #tpu.memory_space<vmem>>, vector<1x1x128x256xf32>
    %swap3A_29 = vector.shape_cast %swap3A_28 : vector<1x1x128x256xf32> to vector<128x256xf32>
    %swap3A_30 = vector.shape_cast %slice3A_23 : vector<128x256xf32> to vector<1x1x128x256xf32>
    tpu.vector_store %arg7[%swap3A_24, %swap3A_25, %swap3A_26, %swap3A_27], %swap3A_30 {strides = array<i32>} : memref<1x6x128x256xf32, #tpu.memory_space<vmem>>, vector<1x1x128x256xf32>,
    %slice3A_31 = vector.extract_strided_slice %transpose3A {offsets = [0, 512], sizes = [128, 256], strides = [1, 1]} : vector<128x1536xf32> to vector<128x256xf32>
    %swap3A_32 = arith.constant 0 : index
    %swap3A_33 = arith.constant 2 : index
    %swap3A_34 = arith.constant 0 : index
    %swap3A_35 = arith.constant 0 : index
    %swap3A_36 = vector.load %arg7[%swap3A_32, %swap3A_33, %swap3A_34, %swap3A_35] : memref<1x6x128x256xf32, #tpu.memory_space<vmem>>, vector<1x1x128x256xf32>
    %swap3A_37 = vector.shape_cast %swap3A_36 : vector<1x1x128x256xf32> to vector<128x256xf32>
    %swap3A_38 = vector.shape_cast %slice3A_31 : vector<128x256xf32> to vector<1x1x128x256xf32>
    tpu.vector_store %arg7[%swap3A_32, %swap3A_33, %swap3A_34, %swap3A_35], %swap3A_38 {strides = array<i32>} : memref<1x6x128x256xf32, #tpu.memory_space<vmem>>, vector<1x1x128x256xf32>,
    %slice3A_39 = vector.extract_strided_slice %transpose3A {offsets = [0, 768], sizes = [128, 256], strides = [1, 1]} : vector<128x1536xf32> to vector<128x256xf32>
    %swap3A_40 = arith.constant 0 : index
    %swap3A_41 = arith.constant 3 : index
    %swap3A_42 = arith.constant 0 : index
    %swap3A_43 = arith.constant 0 : index
    %swap3A_44 = vector.load %arg7[%swap3A_40, %swap3A_41, %swap3A_42, %swap3A_43] : memref<1x6x128x256xf32, #tpu.memory_space<vmem>>, vector<1x1x128x256xf32>
    %swap3A_45 = vector.shape_cast %swap3A_44 : vector<1x1x128x256xf32> to vector<128x256xf32>
    %swap3A_46 = vector.shape_cast %slice3A_39 : vector<128x256xf32> to vector<1x1x128x256xf32>
    tpu.vector_store %arg7[%swap3A_40, %swap3A_41, %swap3A_42, %swap3A_43], %swap3A_46 {strides = array<i32>} : memref<1x6x128x256xf32, #tpu.memory_space<vmem>>, vector<1x1x128x256xf32>,
    %slice3A_47 = vector.extract_strided_slice %transpose3A {offsets = [0, 1024], sizes = [128, 256], strides = [1, 1]} : vector<128x1536xf32> to vector<128x256xf32>
    %swap3A_48 = arith.constant 0 : index
    %swap3A_49 = arith.constant 4 : index
    %swap3A_50 = arith.constant 0 : index
    %swap3A_51 = arith.constant 0 : index
    %swap3A_52 = vector.load %arg7[%swap3A_48, %swap3A_49, %swap3A_50, %swap3A_51] : memref<1x6x128x256xf32, #tpu.memory_space<vmem>>, vector<1x1x128x256xf32>
    %swap3A_53 = vector.shape_cast %swap3A_52 : vector<1x1x128x256xf32> to vector<128x256xf32>
    %swap3A_54 = vector.shape_cast %slice3A_47 : vector<128x256xf32> to vector<1x1x128x256xf32>
    tpu.vector_store %arg7[%swap3A_48, %swap3A_49, %swap3A_50, %swap3A_51], %swap3A_54 {strides = array<i32>} : memref<1x6x128x256xf32, #tpu.memory_space<vmem>>, vector<1x1x128x256xf32>,
    %slice3A_55 = vector.extract_strided_slice %transpose3A {offsets = [0, 1280], sizes = [128, 256], strides = [1, 1]} : vector<128x1536xf32> to vector<128x256xf32>
    %swap3A_56 = arith.constant 0 : index
    %swap3A_57 = arith.constant 5 : index
    %swap3A_58 = arith.constant 0 : index
    %swap3A_59 = arith.constant 0 : index
    %swap3A_60 = vector.load %arg7[%swap3A_56, %swap3A_57, %swap3A_58, %swap3A_59] : memref<1x6x128x256xf32, #tpu.memory_space<vmem>>, vector<1x1x128x256xf32>
    %swap3A_61 = vector.shape_cast %swap3A_60 : vector<1x1x128x256xf32> to vector<128x256xf32>
    %swap3A_62 = vector.shape_cast %slice3A_55 : vector<128x256xf32> to vector<1x1x128x256xf32>
    tpu.vector_store %arg7[%swap3A_56, %swap3A_57, %swap3A_58, %swap3A_59], %swap3A_62 {strides = array<i32>} : memref<1x6x128x256xf32, #tpu.memory_space<vmem>>, vector<1x1x128x256xf32>,
    %reshape3A_63 = vector.shape_cast %dot_general3A_15 : vector<1536x128xf32> to vector<6x256x128xf32>
    %reduce_max3A = arith.constant dense<0xFF800000> : vector<256x128xf32>
    %reduce_max3A_64 = vector.multi_reduction <maximumf>, %reshape3A_63, %reduce_max3A [0] : vector<6x256x128xf32> to vector<256x128xf32>
    %eq3A = arith.constant 0 : i32
    %eq3A_65 = arith.cmpi eq, %arg2, %eq3A : i32
    %convert_element_type3A = arith.extui %eq3A_65 : i1 to i32
    %cond3A = arith.constant 0 : i32
    %cond3A_66 = arith.cmpi ne, %convert_element_type3A, %cond3A : i32
    scf.if %cond3A_66 {
      %swap3A_71 = arith.constant 0 : index
      %swap3A_72 = arith.constant 0 : index
      %swap3A_73 = arith.constant 0 : index
      %swap3A_74 = vector.load %arg6[%swap3A_71, %swap3A_72, %swap3A_73] : memref<1x256x128xf32, #tpu.memory_space<vmem>>, vector<1x256x128xf32>
      %swap3A_75 = vector.shape_cast %swap3A_74 : vector<1x256x128xf32> to vector<256x128xf32>
      %swap3A_76 = vector.shape_cast %reduce_max3A_64 : vector<256x128xf32> to vector<1x256x128xf32>
      tpu.vector_store %arg6[%swap3A_71, %swap3A_72, %swap3A_73], %swap3A_76 {strides = array<i32>} : memref<1x256x128xf32, #tpu.memory_space<vmem>>, vector<1x256x128xf32>,
    } else {
    }
    %gt3A = arith.constant 0 : i32
    %gt3A_67 = arith.cmpi sgt, %arg2, %gt3A : i32
    %convert_element_type3A_68 = arith.extui %gt3A_67 : i1 to i32
    %cond3A_69 = arith.constant 0 : i32
    %cond3A_70 = arith.cmpi ne, %convert_element_type3A_68, %cond3A_69 : i32
    scf.if %cond3A_70 {
      %get3A_71 = arith.constant 0 : index
      %get3A_72 = arith.constant 0 : index
      %get3A_73 = arith.constant 0 : index
      %get3A_74 = vector.load %arg6[%get3A_71, %get3A_72, %get3A_73] : memref<1x256x128xf32, #tpu.memory_space<vmem>>, vector<1x256x128xf32>
      %get3A_75 = vector.shape_cast %get3A_74 : vector<1x256x128xf32> to vector<256x128xf32>
      %max3A = arith.maximumf %get3A_75, %reduce_max3A_64 : vector<256x128xf32>
      %swap3A_76 = arith.constant 0 : index
      %swap3A_77 = arith.constant 0 : index
      %swap3A_78 = arith.constant 0 : index
      %swap3A_79 = vector.load %arg6[%swap3A_76, %swap3A_77, %swap3A_78] : memref<1x256x128xf32, #tpu.memory_space<vmem>>, vector<1x256x128xf32>
      %swap3A_80 = vector.shape_cast %swap3A_79 : vector<1x256x128xf32> to vector<256x128xf32>
      %swap3A_81 = vector.shape_cast %max3A : vector<256x128xf32> to vector<1x256x128xf32>
      tpu.vector_store %arg6[%swap3A_76, %swap3A_77, %swap3A_78], %swap3A_81 {strides = array<i32>} : memref<1x256x128xf32, #tpu.memory_space<vmem>>, vector<1x256x128xf32>,
    } else {
    }
    return
  }
  func.func @transform_0(%arg0: i32, %arg1: i32, %arg2: i32) -> (i32, i32, i32) {
    %c0_i32 = arith.constant 0 : i32
    %c0_i32_0 = arith.constant 0 : i32
    return %arg0, %arg1, %c0_i32 : i32, i32, i32
  }
  func.func @transform_1(%arg0: i32, %arg1: i32, %arg2: i32) -> (i32, i32, i32) {
    %mul3A = arith.constant 8 : i32
    %mul3A_0 = arith.muli %arg0, %mul3A : i32
    %add3A = arith.addi %mul3A_0, %arg1 : i32
    %c0_i32 = arith.constant 0 : i32
    %c0_i32_1 = arith.constant 0 : i32
    return %arg2, %add3A, %c0_i32 : i32, i32, i32
  }
  func.func @transform_2(%arg0: i32, %arg1: i32, %arg2: i32) -> (i32, i32) {
    %c0_i32 = arith.constant 0 : i32
    %c0_i32_0 = arith.constant 0 : i32
    %c0_i32_1 = arith.constant 0 : i32
    return %c0_i32, %c0_i32_0 : i32, i32
  }
  func.func @transform_3(%arg0: i32, %arg1: i32, %arg2: i32) -> (i32, i32, i32) {
    %c0_i32 = arith.constant 0 : i32
    %c0_i32_0 = arith.constant 0 : i32
    return %arg0, %arg1, %c0_i32 : i32, i32, i32
  }
  func.func @transform_4(%arg0: i32, %arg1: i32, %arg2: i32) -> (i32, i32, i32, i32) {
    %c0_i32 = arith.constant 0 : i32
    %c0_i32_0 = arith.constant 0 : i32
    return %arg0, %arg2, %c0_i32, %arg1 : i32, i32, i32, i32
  }
}

module attributes {stable_mosaic.version = 14 : i64} {
  func.func @_finalize_body(%arg0: memref<2x2048x128xf32, #tpu.memory_space<vmem>>, %arg1: memref<1x128xf32, #tpu.memory_space<vmem>>, %arg2: memref<1x128xf32, #tpu.memory_space<vmem>>, %arg3: memref<2x2048x128xf32, #tpu.memory_space<vmem>>) attributes {dimension_semantics = [], scalar_prefetch = 0 : i64, scratch_operands = 0 : i64, tpu.core_type = #tpu.core_type<tc>} {
    %get3A = arith.constant 0 : index
    %get3A_0 = arith.constant 0 : index
    %get3A_1 = arith.constant 0 : index
    %get3A_2 = vector.load %arg0[%get3A, %get3A_0, %get3A_1] : memref<2x2048x128xf32, #tpu.memory_space<vmem>>, vector<2x2048x128xf32>
    %get3A_3 = arith.constant 0 : index
    %get3A_4 = arith.constant 0 : index
    %get3A_5 = vector.load %arg1[%get3A_3, %get3A_4] : memref<1x128xf32, #tpu.memory_space<vmem>>, vector<1x128xf32>
    %get3A_6 = arith.constant 0 : index
    %get3A_7 = arith.constant 0 : index
    %get3A_8 = vector.load %arg2[%get3A_6, %get3A_7] : memref<1x128xf32, #tpu.memory_space<vmem>>, vector<1x128xf32>
    %add3A = arith.constant 9.99999974E-6 : f32
    %add3A_9 = vector.broadcast %add3A : f32 to vector<1x128xf32>
    %add3A_10 = arith.addf %get3A_8, %add3A_9 : vector<1x128xf32>
    %sqrt3A = math.sqrt %add3A_10 : vector<1x128xf32>
    %broadcast_in_dim3A = vector.shape_cast %get3A_5 : vector<1x128xf32> to vector<1x1x128xf32>
    %sub3A = vector.broadcast %broadcast_in_dim3A : vector<1x1x128xf32> to vector<2x2048x128xf32>
    %sub3A_11 = arith.subf %get3A_2, %sub3A : vector<2x2048x128xf32>
    %broadcast_in_dim3A_12 = vector.shape_cast %sqrt3A : vector<1x128xf32> to vector<1x1x128xf32>
    %div3A = vector.broadcast %broadcast_in_dim3A_12 : vector<1x1x128xf32> to vector<2x2048x128xf32>
    %div3A_13 = arith.divf %sub3A_11, %div3A : vector<2x2048x128xf32>
    %max3A = arith.constant 0.000000e+00 : f32
    %max3A_14 = vector.broadcast %max3A : f32 to vector<2x2048x128xf32>
    %max3A_15 = arith.maximumf %div3A_13, %max3A_14 : vector<2x2048x128xf32>
    %swap3A = arith.constant 0 : index
    %swap3A_16 = arith.constant 0 : index
    %swap3A_17 = arith.constant 0 : index
    %swap3A_18 = vector.load %arg3[%swap3A, %swap3A_16, %swap3A_17] : memref<2x2048x128xf32, #tpu.memory_space<vmem>>, vector<2x2048x128xf32>
    tpu.vector_store %arg3[%swap3A, %swap3A_16, %swap3A_17], %max3A_15 {strides = array<i32>} : memref<2x2048x128xf32, #tpu.memory_space<vmem>>, vector<2x2048x128xf32>,
    return
  }
}

module attributes {stable_mosaic.version = 14 : i64} {
  func.func @_final_body(%arg0: i32, %arg1: memref<1024x320xf32, #tpu.memory_space<vmem>>, %arg2: memref<1x320x2048xf32, #tpu.memory_space<vmem>>, %arg3: memref<1x1024x2048xf32, #tpu.memory_space<vmem>>) attributes {dimension_semantics = [#tpu.dimension_semantics<arbitrary>], iteration_bounds = array<i64: 2>, scalar_prefetch = 0 : i64, scratch_operands = 0 : i64, tpu.core_type = #tpu.core_type<tc>, window_params = [{pipeline_mode = #tpu.pipeline_mode<synchronous>, transform_indices = @transform_0, window_bounds = array<i64: 1024, 320>}, {transform_indices = @transform_1, window_bounds = array<i64: 1, 320, 2048>}, {transform_indices = @transform_2, window_bounds = array<i64: 1, 1024, 2048>}]} {
    %get3A = arith.constant 0 : index
    %get3A_0 = arith.constant 0 : index
    %get3A_1 = vector.load %arg1[%get3A, %get3A_0] : memref<1024x320xf32, #tpu.memory_space<vmem>>, vector<1024x320xf32>
    %get3A_2 = arith.constant 0 : index
    %get3A_3 = arith.constant 0 : index
    %get3A_4 = arith.constant 0 : index
    %get3A_5 = vector.load %arg2[%get3A_2, %get3A_3, %get3A_4] : memref<1x320x2048xf32, #tpu.memory_space<vmem>>, vector<1x320x2048xf32>
    %get3A_6 = vector.shape_cast %get3A_5 : vector<1x320x2048xf32> to vector<320x2048xf32>
    %dot_general3A = arith.constant dense<0.000000e+00> : vector<1024x2048xf32>
    %dot_general3A_7 = tpu.matmul %get3A_1, %get3A_6, %dot_general3A {dimension_numbers = #tpu.dot_dimension_numbers<[1], [0], [0], [1], [0, 0, 1, 1], [], []>, transpose_lhs_hint = false} : vector<1024x320xf32>, vector<320x2048xf32>, vector<1024x2048xf32> -> vector<1024x2048xf32>
    %swap3A = arith.constant 0 : index
    %swap3A_8 = arith.constant 0 : index
    %swap3A_9 = arith.constant 0 : index
    %swap3A_10 = vector.load %arg3[%swap3A, %swap3A_8, %swap3A_9] : memref<1x1024x2048xf32, #tpu.memory_space<vmem>>, vector<1x1024x2048xf32>
    %swap3A_11 = vector.shape_cast %swap3A_10 : vector<1x1024x2048xf32> to vector<1024x2048xf32>
    %swap3A_12 = vector.shape_cast %dot_general3A_7 : vector<1024x2048xf32> to vector<1x1024x2048xf32>
    tpu.vector_store %arg3[%swap3A, %swap3A_8, %swap3A_9], %swap3A_12 {strides = array<i32>} : memref<1x1024x2048xf32, #tpu.memory_space<vmem>>, vector<1x1024x2048xf32>,
    return
  }
  func.func @transform_0(%arg0: i32) -> (i32, i32) {
    %c0_i32 = arith.constant 0 : i32
    %c0_i32_0 = arith.constant 0 : i32
    %c0_i32_1 = arith.constant 0 : i32
    return %c0_i32, %c0_i32_0 : i32, i32
  }
  func.func @transform_1(%arg0: i32) -> (i32, i32, i32) {
    %c0_i32 = arith.constant 0 : i32
    %c0_i32_0 = arith.constant 0 : i32
    %c0_i32_1 = arith.constant 0 : i32
    return %arg0, %c0_i32, %c0_i32_0 : i32, i32, i32
  }
  func.func @transform_2(%arg0: i32) -> (i32, i32, i32) {
    %c0_i32 = arith.constant 0 : i32
    %c0_i32_0 = arith.constant 0 : i32
    %c0_i32_1 = arith.constant 0 : i32
    return %arg0, %c0_i32, %c0_i32_0 : i32, i32, i32
  }
}

</mosaic_0001>

<sc_bundles>
// kernel: kernel.19.cloned.1.call-start
scs
__scs_entry_jumppad:
0x0: {  	(pc) =	sbr.rel $0x88, $3  }
0x1: {  	(tag) =	ssettag $0x0;
	lr =	simm.s32 $0x1  }
0x2: {  	[smem:$0x3F97] =	sst lr;
	_ =	strace $0xD0000000  }
0x3: {  	_ = 	snop  }
0x4: {  	_ = 	snop  }
0x5: {  	_ = 	snop  }
0x6: {  	_ = 	snop  }
0x7: {  	_ = 	snop  }
__scs_overlays_trampoline_lowered:
0x8: {  	[smem:$0x3FA6] =	sst s0  }
0x9: {  	[smem:$0x3FA7] =	sst s1  }
0xa: {  	[smem:$0x3FA8] =	sst s2  }
0xb: {  	[smem:$0x3FA9] =	sst s3  }
0xc: {  	[smem:$0x3FAA] =	sst s4  }
0xd: {  	[smem:$0x3FAB] =	sst s5  }
0xe: {  	[smem:$0x3FAC] =	sst s6  }
0xf: {  	[smem:$0x3FAD] =	sst s7  }
0x10: {  	[smem:$0x3FAE] =	sst s8  }
0x11: {  	[smem:$0x3FAF] =	sst s9;
	s0 =	simm.s32 @!p0 $0x0  }
0x12: {  	s1 =	sld [smem:$0x3F95];
	s0 =	simm.s32 @p0 $0x1  }
0x13: {  	[smem:$0x3FB0] =	sst s0;
	s0 =	simm.s32 @!p1 $0x0  }
0x14: {  	s2 =	sld [smem:$0x3F94];
	s0 =	simm.s32 @p1 $0x1  }
0x15: {  	[smem:$0x3FB1] =	sst s0;
	s0 =	simm.s32 @!p2 $0x0  }
0x16: {  	s3 =	sld [smem:$0x3FDB];
	s0 =	simm.s32 @p2 $0x1  }
0x17: {  	s4 =	simm.s32 $0x1BF5;
	[smem:$0x3FB3] =	sst s0  }
0x18: {  	s0 =	sld [smem:$0x3F96];
	_ =	swait.ge [sflag:s4], $0x0  }
0x19: {  	s7 =	sld [smem:$0x3F97]  }
0x1a: {  	s8 =	sadd.s32 $0xFFFFE003, lr  }
0x1b: {  	s9 =	sadd.s32 $0xFFFFFEF7, lr;
	s5 =	simm.s32 $0xFFFFFFFF;
	p2 =	slt.u32 s8, $0xFFFFF086  }
0x1c: {  	p1 =	slt.u32 s9, $0xF7A;
	s5 =	simm.s32 @!p2 $0x0  }
0x1d: {  	s5 =	simm.s32 @p1 $0x1;
	p0 =	seq.s32 s7, s2  }
0x1e: {  	s7 =	smul.u32 @!p0 $0xF7A, s2;
	p2 =	seq.s32 @!p0 s5, $0x0  }
0x1f: {  	s9 =	smul.u32 $0xF7A, s1;
	s8 =	simm.s32 @!p0 $0x1BF5;
	p2 =	por !p2, p0  }
0x20: {  	[sflag:s8] =	ssyncset.s32 @!p0 $0xFFFFF086;
	s6 =	sadd.s32 @!p0 s3, s7;
	s7 =	simm.s32 @!p0 $0x108  }
0x21: {  	s3 =	sadd.s32 s3, s9;
	s6 =	sadd.s32 @!p0 $0x88, s6;
	s7 =	simm.s32 @p2 $0x1082  }
0x22: {  	[simem:s7], [sflag:s8] =	dma.local @!p0 [hbm:s6], $0xF7A  }
0x23: {  	s9 =	sor.u32 $0xD0000000, s2;
	s6 =	simm.s32 $0x108;
	_ =	swait.ge @!p0 [sflag:s8], $0x0  }
0x24: {  	s3 =	sadd.s32 $0x88, s3;
	s6 =	simm.s32 @!p1 $0x1082;
	[sflag:s4] =	ssyncset.s32 $0xFFFFF086  }
0x25: {  	[simem:s6], [sflag:s4] =	dma.local [hbm:s3], $0xF7A  }
0x26: {  	[smem:$0x3F97] =	sst s1;
	(tag) =	ssettag s2;
	_ =	strace s9  }
0x27: {  	s1 =	sld [smem:$0x3FA7]  }
0x28: {  	s2 =	sld [smem:$0x3FA8]  }
0x29: {  	s4 =	sld [smem:$0x3FAA]  }
0x2a: {  	p0 =	seq.s32 s5, $0x0;
	s5 =	sld [smem:$0x3FAB]  }
0x2b: {  	s6 =	sld [smem:$0x3FAC]  }
0x2c: {  	s7 =	sld [smem:$0x3FAD]  }
0x2d: {  	s3 =	simm.s32 $0x108;
	s8 =	sld [smem:$0x3FAE]  }
0x2e: {  	s3 =	simm.s32 @!p0 $0x1082;
	s9 =	sld [smem:$0x3FAF]  }
0x2f: {  	lr =	sadd.s32 s0, s3;
	s0 =	sld [smem:$0x3FA6]  }
0x30: {  	s3 =	sld [smem:$0x3FA9]  }
0x31: {  	[smem:$0x3FB2] =	sst s10  }
0x32: {  	s10 =	sld [smem:$0x3FB0];
	_ =	sdelay $0x3  }
0x33: {  	p0 =	seq.s32 s10, $0x1;
	s10 =	sld [smem:$0x3FB2];
	_ =	sdelay $0x3  }
0x34: {  	[smem:$0x3FB2] =	sst s10  }
0x35: {  	s10 =	sld [smem:$0x3FB1];
	_ =	sdelay $0x3  }
0x36: {  	p1 =	seq.s32 s10, $0x1;
	s10 =	sld [smem:$0x3FB2];
	_ =	sdelay $0x3  }
0x37: {  	[smem:$0x3FB2] =	sst s10  }
0x38: {  	s10 =	sld [smem:$0x3FB3]  }
0x39: {  	_ = 	snop;
	(pc) =	sbr.ind lr, $3  }
0x3a: {  	_ = 	snop  }
0x3b: {  	_ = 	snop  }
0x3c: {  	p2 =	seq.s32 s10, $0x1;
	s10 =	sld [smem:$0x3FB2]  }
0x3d: {  	_ =	shalt  }
0x3e: {  	_ =	shalt  }
0x3f: {  	_ =	shalt  }
0x40: {  	_ =	shalt  }
0x41: {  	_ =	shalt  }
0x42: {  	_ =	shalt  }
0x43: {  	_ =	shalt  }
0x44: {  	_ =	shalt  }
0x45: {  	_ =	shalt  }
0x46: {  	_ =	shalt  }
0x47: {  	_ =	shalt  }
0x48: {  	_ =	shalt  }
0x49: {  	_ =	shalt  }
0x4a: {  	_ =	shalt  }
0x4b: {  	_ =	shalt  }
0x4c: {  	_ =	shalt  }
0x4d: {  	_ =	shalt  }
0x4e: {  	_ =	shalt  }
0x4f: {  	_ =	shalt  }
0x50: {  	_ =	shalt  }
0x51: {  	_ =	shalt  }
0x52: {  	_ =	shalt  }
0x53: {  	_ =	shalt  }
0x54: {  	_ =	shalt  }
0x55: {  	_ =	shalt  }
0x56: {  	_ =	shalt  }
0x57: {  	_ =	shalt  }
0x58: {  	_ =	shalt  }
0x59: {  	_ =	shalt  }
0x5a: {  	_ =	shalt  }
0x5b: {  	_ =	shalt  }
0x5c: {  	_ =	shalt  }
0x5d: {  	_ =	shalt  }
0x5e: {  	_ =	shalt  }
0x5f: {  	_ =	shalt  }
0x60: {  	_ =	shalt  }
0x61: {  	_ =	shalt  }
0x62: {  	_ =	shalt  }
0x63: {  	_ =	shalt  }
0x64: {  	_ =	shalt  }
0x65: {  	_ =	shalt  }
0x66: {  	_ =	shalt  }
0x67: {  	_ =	shalt  }
0x68: {  	_ =	shalt  }
0x69: {  	_ =	shalt  }
0x6a: {  	_ =	shalt  }
0x6b: {  	_ =	shalt  }
0x6c: {  	_ =	shalt  }
0x6d: {  	_ =	shalt  }
0x6e: {  	_ =	shalt  }
0x6f: {  	_ =	shalt  }
0x70: {  	_ =	shalt  }
0x71: {  	_ =	shalt  }
0x72: {  	_ =	shalt  }
0x73: {  	_ =	shalt  }
0x74: {  	_ =	shalt  }
0x75: {  	_ =	shalt  }
0x76: {  	_ =	shalt  }
0x77: {  	_ =	shalt  }
0x78: {  	_ =	shalt  }
0x79: {  	_ =	shalt  }
0x7a: {  	_ =	shalt  }
0x7b: {  	_ =	shalt  }
0x7c: {  	_ =	shalt  }
0x7d: {  	_ =	shalt  }
0x7e: {  	_ =	shalt  }
0x7f: {  	_ =	shalt  }
0x80: {  	_ =	shalt  }
0x81: {  	_ =	shalt  }
0x82: {  	_ =	shalt  }
0x83: {  	_ =	shalt  }
0x84: {  	_ =	shalt  }
0x85: {  	_ =	shalt  }
0x86: {  	_ =	shalt  }
0x87: {  	_ =	shalt  }
.Lfunc_end0:
.L_simem_size_0:
called_computation_lowered:
.L_overlay_start_0:
0x88: {  	s2 =	sld [smem:$0x3FD9]  }
0x89: {  	s3 =	sld [smem:$0x3FFE];
	_ =	sdelay $0x1  }
0x8a: {  	s1 =	srdreg.scid  }
0x8b: {  	s0 =	sand.u32 $0x1, s1  }
0x8c: {  	s17 =	sshll.u32 s0, $0xA;
	s2 =	sadd.s32 s3, s2  }
0x8d: {  	s2 =	sadd.s32 s2, s17  }
0x8e: {  	[smem:$0x3FBE] =	sst s2  }
0x8f: {  	_ = 	snop  }
0x90: {  	s2 =	sld [smem:$0x3FD0];
	(tm) =	ssettm $0x1  }
0x91: {  	s18 =	sld [smem:$0x3FFB];
	_ =	sdelay $0x3  }
0x92: {  	_ =	strace s18  }
0x93: {  	s3 =	sld [smem:$0x3FFC];
	_ =	sdelay $0x3  }
0x94: {  	_ =	strace s3  }
0x95: {  	s3 =	sld [smem:$0x3FFD];
	_ =	sdelay $0x3  }
0x96: {  	_ =	strace s3  }
0x97: {  	_ =	strace $0x8FFFFFFF  }
0x98: {  	s19 =	sld [smem:$0x3FDB];
	_ =	sdelay $0x1  }
0x99: {  	s4 =	simm.s32 $_scs_section_size  }
0x9a: {  	s5 =	simm.s32 $_size__tile_overlayer_lowered;
	s6 =	simm.s32 $_tile_overlayer_lowered  }
0x9b: {  	s22 =	simm.s32 $0x1BFF;
	s21 =	sshll.u32 s6, $0x1;
	s3 =	sadd.s32 s4, s19  }
0x9c: {  	s7 =	simm.s32 $0x0;
	s20 =	sshll.u32 s5, $0x1;
	s5 =	sadd.s32 s21, s3  }
0x9d: {  	[timem:s7], [sflag:s22] =	dma.local [hbm:s5], s20  }
0x9e: {  	_ =	swait.ge [sflag:s22], s20  }
0x9f: {  	s4 =	ssub.s32 $0x0, s20;
	[sflag:s22] =	ssyncset.done $0x0  }
0xa0: {  	[sflag:s22] =	ssyncadd.s32 s4;
	_ =	sdelay $0x1  }
0xa1: {  	s23 =	simm.s32 $0x1B8B  }
0xa2: {  	_ =	swait.ge [sflag:s23], $0x1  }
0xa3: {  	[sflag:s23] =	ssyncset.done $0x0  }
0xa4: {  	s25 =	simm.s32 $0x1B8E;
	s24 =	sld [smem:$0x3FFE];
	[sflag:s23] =	ssyncadd.s32 $0xFFFFFFFF  }
0xa5: {  	s26 =	simm.s32 $execute0_lowered;
	[smem:$0x3FD2] =	sst s25  }
0xa6: {  	s5 =	sshll.u32 s26, $0x1;
	_ =	strace $0x80000046;
	[dreg:$0x1] =	wrdreg $0xFFFFFFFF  }
0xa7: {  	s28 =	simm.s32 $_size_execute0_lowered;
	s3 =	sadd.s32 s3, s5;
	[dreg:$0x0] =	wrdreg $0x0  }
0xa8: {  	s5 =	sshll.u32 s28, $0x1;
	[dreg:$0x2] =	wrdreg s3  }
0xa9: {  	[dreg:$0x3] =	wrdreg s5  }
0xaa: {  	[dreg:$0x4] =	wrdreg $0xC0  }
0xab: {  	_ =	task [dreg:s7], $0x5FFFF  }
0xac: {  	[dreg:$0x1] =	wrdreg $0xFFFFFFFF  }
0xad: {  	[dreg:$0x0] =	wrdreg $0x60  }
0xae: {  	[dreg:$0x2] =	wrdreg s2  }
0xaf: {  	[dreg:$0x3] =	wrdreg s24  }
0xb0: {  	[dreg:$0x4] =	wrdreg $0x9  }
0xb1: {  	_ =	task.clear_ibuf [dreg:s7], $0x5FFFF;
	_ =	strace $0x90000046  }
0xb2: {  	s29 =	simm.s32 $0x9;
	_ =	strace $0x80000048  }
0xb3: {  	_ =	swait.ge [sflag:s29], $0x1  }
0xb4: {  	[sflag:s29] =	ssyncadd.s32 $0xFFFFFFFF  }
0xb5: {  	_ =	strace $0x90000048  }
0xb6: {  	_ =	sfence  }
0xb7: {  	s30 =	sld [smem:$0x0];
	_ =	sdelay $0x2  }
0xb8: {  	s31 =	sshll.u32 s1, $0xD;
	s1 =	sshrl.u32 s1, $0x2  }
0xb9: {  	s3 =	sand.u32 $0x4000, s31;
	s1 =	sadd.s32 s1, s30  }
0xba: {  	s0 =	sor.u32 s3, s0;
	s1 =	sshll.u32 s1, $0x11  }
0xbb: {  	s0 =	sor.u32 s1, s0  }
0xbc: {  	s0 =	sadd.s32 $0x8F2B, s0  }
0xbd: {  	[sflag:s0] =	ssyncadd.remote.s32 $0x1  }
0xbe: {  	_ =	sfence.sel $0xFFFF  }
0xbf: {  	[dreg:$0x0] =	wrdreg $0xFFFFFFFF;
	(pc) =	sbr.abs _section_cstart, $3  }
0xc0: {  	[dreg:$0x1] =	wrdreg $0xFFFFFFFF  }
0xc1: {  	_ =	task.clear_ibuf [dreg:s7], $0x2FFFF;
	_ =	strace $0x9FFFFFFF  }
0xc2: {  	(tm) =	ssettm $0x7FFFFFFF  }
0xc3: {  	_ =	shalt  }
tec
execute0_lowered:
.L_overlay_start_1:
0x0: {  	(tag) =	ssettag $0x1  }
0x1: {  	s2 =	rddreg [dreg:$0x0]  }
0x2: {  	s0 =	stileid.u32;
	s1 =	srdreg.scid  }
0x3: {  	s4 =	rddreg [dreg:$0x1];
	s11 =	simm.s32 $0x0;
	s5 =	sand.u32 $0x1, s1  }
0x4: {  	s3 =	sshll.u32 s0, $0x1;
	s1 =	rddreg [dreg:$0x2];
	s6 =	smul.u32 $0x1E000, s0  }
0x5: {  	s7 =	sor.u32 s5, s3;
	s3 =	simm.s32 $0x0;
	s10 =	smul.u32 $0xF000, s5  }
0x6: {  	s8 =	ssub.s32 $0x2, s5;
	s7 =	smul.u32 $0x1E0, s7;
	[smem:$0x7FF] =	sst s3  }
0x7: {  	s9 =	sshrl.u32 s8, $0x1;
	s6 =	sadd.s32 s6, s4;
	_ =	strace $0x80000047  }
0x8: {  	s31 =	ssub.s32 s8, s9;
	s6 =	sadd.s32 s10, s6;
	s8 =	simm.s32 $0x78  }
0x9: {  	s9 =	simm.s32 $0x1;
	s10 =	simm.s32 $0x2;
	s4 =	sadd.s32 s4, s7  }
0xa: {  	s5 =	smax.u32 s31, $0x1;
	s6 =	sadd.s32 $0x3C00, s6;
	s7 =	simm.s32 $0x3  }
.LBB2_1:
0xb: {  	[tilespmem:s3], [sflag:$0x3] =	stream.linear.gather [hbm4b:s4+s3], $0xF00, $0x38;
	[tilespmem:$0x8700] =	vst v63  }
0xc: {  	s12 =	sand.u32 $0x1, s3;
	_ =	swait.ge [sflag:s7], $0xF00  }
0xd: {  	p0 =	seq.s32 s12, $0x1;
	s12 =	simm.s32 $0x4B00;
	[sflag:s7] =	ssyncset.done $0x0  }
0xe: {  	s12 =	simm.s32 @!p0 $0xF00;
	[sflag:s7] =	ssyncadd.s32 $0xFFFFF100  }
0xf: {  	[tilespmem:s12], [sflag:$0x1] =	stream.indirect.gather [hbm4b:s2+s8], $0x80, s3, s8, $0xb8;
	[tilespmem:$0x8700] =	vst v63  }
0x10: {  	_ =	swait.ge [sflag:s9], $0x3C00  }
0x11: {  	[sflag:s9] =	ssyncset.done $0x0  }
0x12: {  	s13 =	simm.s32 $0x1;
	s14 =	simm.s32 $0x2;
	[sflag:s9] =	ssyncadd.s32 $0xFFFFC400  }
0x13: {  	[hbm4b:s6+s3] =	stream.linear.scatter [tilespmem:s12], [sflag:$0x2], $0x3C00, $0x38;
	[tilespmem:$0x8700] =	vst v63  }
0x14: {  	s31 =	sand.u32 $0x1, s13;
	s13 =	simm.s32 $0x78;
	_ =	swait.ge [sflag:s10], $0x3C00  }
0x15: {  	p1 =	seq.s32 s31, $0x1;
	s12 =	sadd.s32 $0x780, s6;
	[sflag:s10] =	ssyncset.done $0x0  }
.LBB2_2:
0x16: {  	s15 =	simm.s32 $0x4B00;
	[sflag:s10] =	ssyncadd.s32 $0xFFFFC400  }
0x17: {  	s16 =	smov.u32 s14;
	s17 =	sadd.s32 $0x1, s14;
	s15 =	simm.s32 @!p1 $0xF00  }
0x18: {  	[tilespmem:s15], [sflag:$0x1] =	stream.indirect.gather [hbm4b:s2+s8], $0x80, s13, s8, $0xb8;
	[tilespmem:$0x8700] =	vst v63  }
0x19: {  	p0 =	sne.s32 s14, $0x1F;
	_ =	swait.ge [sflag:s9], $0x3C00  }
.Ltmp0:
0x1a: {  	[sflag:s9] =	ssyncset.done $0x0;
	(pc) =	sbr.rel @p0 .LBB2_2-.Ltmp0, $4  }
0x1b: {  	s14 =	sand.u32 $0x1, s16;
	[sflag:s9] =	ssyncadd.s32 $0xFFFFC400  }
0x1c: {  	[hbm4b:s12+s3] =	stream.linear.scatter [tilespmem:s15], [sflag:$0x2], $0x3C00, $0x38;
	[tilespmem:$0x8700] =	vst v63  }
0x1d: {  	s13 =	sadd.s32 $0x78, s13;
	p1 =	seq.s32 s14, $0x1;
	_ =	swait.ge [sflag:s10], $0x3C00  }
0x1e: {  	s14 =	smov.u32 s17;
	s12 =	sadd.s32 $0x780, s12;
	[sflag:s10] =	ssyncset.done $0x0  }
0x1f: {  	s14 =	simm.s32 $0x4B00  }
0x20: {  	[sflag:s10] =	ssyncadd.s32 $0xFFFFC400;
	s14 =	simm.s32 @!p1 $0xF00  }
0x21: {  	[tilespmem:s14], [sflag:$0x1] =	stream.indirect.gather [hbm4b:s2+s8], $0x80, s13, s8, $0xb8;
	[tilespmem:$0x8700] =	vst v63  }
0x22: {  	s11 =	sadd.s32 $0x1, s11;
	_ =	swait.ge [sflag:s9], $0x3C00  }
0x23: {  	p0 =	sne.s32 s11, s5;
	[sflag:s9] =	ssyncset.done $0x0  }
.Ltmp1:
0x24: {  	[sflag:s9] =	ssyncadd.s32 $0xFFFFC400;
	(pc) =	sbr.rel @p0 .LBB2_1-.Ltmp1, $4  }
0x25: {  	[hbm4b:s12+s3] =	stream.linear.scatter [tilespmem:s14], [sflag:$0x2], $0x3C00, $0x38;
	[tilespmem:$0x8700] =	vst v63  }
0x26: {  	_ =	swait.ge [sflag:s10], $0x3C00  }
0x27: {  	[sflag:s10] =	ssyncset.done $0x0  }
0x28: {  	[sflag:s10] =	ssyncadd.s32 $0xFFFFC400  }
0x29: {  	_ =	sfence.sel $0x180000  }
0x2a: {  	[bflag:$0x0] =	sbarrier.arrive $0xFFFF  }
0x2b: {  	p0 =	sne.s32 s0, $0x0;
	_ =	strace $0x90000047  }
0x2c: {  	s0 =	sadd.s32 @!p0 $0x100000, s1;
	[bflag:$0x2] =	sbarrier.arrive $0xFFFF  }
0x2d: {  	[sflag:s0] =	ssyncadd.tile.s32 @!p0 $0x1;
	_ =	shalt  }
.Lfunc_end2:
_tile_overlayer_lowered:
.L_overlay_start_2:
0x2e: {  	(tag) =	ssettag $0x2  }
0x2f: {  	s0 =	rddreg [dreg:$0x0];
	s2 =	stileid.u32  }
0x30: {  	s1 =	rddreg [dreg:$0x1];
	p0 =	sne.s32 s2, $0x0  }
0x31: {  	s3 =	rddreg [dreg:$0x2];
	[bflag:$0x3] =	sbarrier.arrive $0xFFFF;
	s2 =	simm.s32 @!p0 $0x1C03  }
0x32: {  	[timem:s3], [sflag:s2] =	dma.local @!p0 [hbm:s0], s1  }
0x33: {  	s0 =	simm.s32 @!p0 $0x3  }
0x34: {  	_ =	swait.ge @!p0 [sflag:s0], s1  }
0x35: {  	s1 =	ssub.s32 @!p0 $0x0, s1;
	[sflag:s0] =	ssyncset.done @!p0 $0x0  }
0x36: {  	[sflag:s0] =	ssyncadd.s32 @!p0 s1  }
0x37: {  	[bflag:$0x3] =	sbarrier.arrive $0xFFFF  }
0x38: {  	_ =	shalt  }

// kernel: kernel.22.cloned.1.call-start
scs
__scs_entry_jumppad:
0x0: {  	(pc) =	sbr.rel $0x88, $3  }
0x1: {  	(tag) =	ssettag $0x0;
	lr =	simm.s32 $0x1  }
0x2: {  	[smem:$0x3F97] =	sst lr;
	_ =	strace $0xD0000000  }
0x3: {  	_ = 	snop  }
0x4: {  	_ = 	snop  }
0x5: {  	_ = 	snop  }
0x6: {  	_ = 	snop  }
0x7: {  	_ = 	snop  }
__scs_overlays_trampoline_lowered:
0x8: {  	[smem:$0x3FA6] =	sst s0  }
0x9: {  	[smem:$0x3FA7] =	sst s1  }
0xa: {  	[smem:$0x3FA8] =	sst s2  }
0xb: {  	[smem:$0x3FA9] =	sst s3  }
0xc: {  	[smem:$0x3FAA] =	sst s4  }
0xd: {  	[smem:$0x3FAB] =	sst s5  }
0xe: {  	[smem:$0x3FAC] =	sst s6  }
0xf: {  	[smem:$0x3FAD] =	sst s7  }
0x10: {  	[smem:$0x3FAE] =	sst s8  }
0x11: {  	[smem:$0x3FAF] =	sst s9;
	s0 =	simm.s32 @!p0 $0x0  }
0x12: {  	s1 =	sld [smem:$0x3F95];
	s0 =	simm.s32 @p0 $0x1  }
0x13: {  	[smem:$0x3FB0] =	sst s0;
	s0 =	simm.s32 @!p1 $0x0  }
0x14: {  	s2 =	sld [smem:$0x3F94];
	s0 =	simm.s32 @p1 $0x1  }
0x15: {  	[smem:$0x3FB1] =	sst s0;
	s0 =	simm.s32 @!p2 $0x0  }
0x16: {  	s3 =	sld [smem:$0x3FDB];
	s0 =	simm.s32 @p2 $0x1  }
0x17: {  	s4 =	simm.s32 $0x1BF5;
	[smem:$0x3FB3] =	sst s0  }
0x18: {  	s0 =	sld [smem:$0x3F96];
	_ =	swait.ge [sflag:s4], $0x0  }
0x19: {  	s7 =	sld [smem:$0x3F97]  }
0x1a: {  	s8 =	sadd.s32 $0xFFFFE003, lr  }
0x1b: {  	s9 =	sadd.s32 $0xFFFFFEF7, lr;
	s5 =	simm.s32 $0xFFFFFFFF;
	p2 =	slt.u32 s8, $0xFFFFF086  }
0x1c: {  	p1 =	slt.u32 s9, $0xF7A;
	s5 =	simm.s32 @!p2 $0x0  }
0x1d: {  	s5 =	simm.s32 @p1 $0x1;
	p0 =	seq.s32 s7, s2  }
0x1e: {  	s7 =	smul.u32 @!p0 $0xF7A, s2;
	p2 =	seq.s32 @!p0 s5, $0x0  }
0x1f: {  	s9 =	smul.u32 $0xF7A, s1;
	s8 =	simm.s32 @!p0 $0x1BF5;
	p2 =	por !p2, p0  }
0x20: {  	[sflag:s8] =	ssyncset.s32 @!p0 $0xFFFFF086;
	s6 =	sadd.s32 @!p0 s3, s7;
	s7 =	simm.s32 @!p0 $0x108  }
0x21: {  	s3 =	sadd.s32 s3, s9;
	s6 =	sadd.s32 @!p0 $0x88, s6;
	s7 =	simm.s32 @p2 $0x1082  }
0x22: {  	[simem:s7], [sflag:s8] =	dma.local @!p0 [hbm:s6], $0xF7A  }
0x23: {  	s9 =	sor.u32 $0xD0000000, s2;
	s6 =	simm.s32 $0x108;
	_ =	swait.ge @!p0 [sflag:s8], $0x0  }
0x24: {  	s3 =	sadd.s32 $0x88, s3;
	s6 =	simm.s32 @!p1 $0x1082;
	[sflag:s4] =	ssyncset.s32 $0xFFFFF086  }
0x25: {  	[simem:s6], [sflag:s4] =	dma.local [hbm:s3], $0xF7A  }
0x26: {  	[smem:$0x3F97] =	sst s1;
	(tag) =	ssettag s2;
	_ =	strace s9  }
0x27: {  	s1 =	sld [smem:$0x3FA7]  }
0x28: {  	s2 =	sld [smem:$0x3FA8]  }
0x29: {  	s4 =	sld [smem:$0x3FAA]  }
0x2a: {  	p0 =	seq.s32 s5, $0x0;
	s5 =	sld [smem:$0x3FAB]  }
0x2b: {  	s6 =	sld [smem:$0x3FAC]  }
0x2c: {  	s7 =	sld [smem:$0x3FAD]  }
0x2d: {  	s3 =	simm.s32 $0x108;
	s8 =	sld [smem:$0x3FAE]  }
0x2e: {  	s3 =	simm.s32 @!p0 $0x1082;
	s9 =	sld [smem:$0x3FAF]  }
0x2f: {  	lr =	sadd.s32 s0, s3;
	s0 =	sld [smem:$0x3FA6]  }
0x30: {  	s3 =	sld [smem:$0x3FA9]  }
0x31: {  	[smem:$0x3FB2] =	sst s10  }
0x32: {  	s10 =	sld [smem:$0x3FB0];
	_ =	sdelay $0x3  }
0x33: {  	p0 =	seq.s32 s10, $0x1;
	s10 =	sld [smem:$0x3FB2];
	_ =	sdelay $0x3  }
0x34: {  	[smem:$0x3FB2] =	sst s10  }
0x35: {  	s10 =	sld [smem:$0x3FB1];
	_ =	sdelay $0x3  }
0x36: {  	p1 =	seq.s32 s10, $0x1;
	s10 =	sld [smem:$0x3FB2];
	_ =	sdelay $0x3  }
0x37: {  	[smem:$0x3FB2] =	sst s10  }
0x38: {  	s10 =	sld [smem:$0x3FB3]  }
0x39: {  	_ = 	snop;
	(pc) =	sbr.ind lr, $3  }
0x3a: {  	_ = 	snop  }
0x3b: {  	_ = 	snop  }
0x3c: {  	p2 =	seq.s32 s10, $0x1;
	s10 =	sld [smem:$0x3FB2]  }
0x3d: {  	_ =	shalt  }
0x3e: {  	_ =	shalt  }
0x3f: {  	_ =	shalt  }
0x40: {  	_ =	shalt  }
0x41: {  	_ =	shalt  }
0x42: {  	_ =	shalt  }
0x43: {  	_ =	shalt  }
0x44: {  	_ =	shalt  }
0x45: {  	_ =	shalt  }
0x46: {  	_ =	shalt  }
0x47: {  	_ =	shalt  }
0x48: {  	_ =	shalt  }
0x49: {  	_ =	shalt  }
0x4a: {  	_ =	shalt  }
0x4b: {  	_ =	shalt  }
0x4c: {  	_ =	shalt  }
0x4d: {  	_ =	shalt  }
0x4e: {  	_ =	shalt  }
0x4f: {  	_ =	shalt  }
0x50: {  	_ =	shalt  }
0x51: {  	_ =	shalt  }
0x52: {  	_ =	shalt  }
0x53: {  	_ =	shalt  }
0x54: {  	_ =	shalt  }
0x55: {  	_ =	shalt  }
0x56: {  	_ =	shalt  }
0x57: {  	_ =	shalt  }
0x58: {  	_ =	shalt  }
0x59: {  	_ =	shalt  }
0x5a: {  	_ =	shalt  }
0x5b: {  	_ =	shalt  }
0x5c: {  	_ =	shalt  }
0x5d: {  	_ =	shalt  }
0x5e: {  	_ =	shalt  }
0x5f: {  	_ =	shalt  }
0x60: {  	_ =	shalt  }
0x61: {  	_ =	shalt  }
0x62: {  	_ =	shalt  }
0x63: {  	_ =	shalt  }
0x64: {  	_ =	shalt  }
0x65: {  	_ =	shalt  }
0x66: {  	_ =	shalt  }
0x67: {  	_ =	shalt  }
0x68: {  	_ =	shalt  }
0x69: {  	_ =	shalt  }
0x6a: {  	_ =	shalt  }
0x6b: {  	_ =	shalt  }
0x6c: {  	_ =	shalt  }
0x6d: {  	_ =	shalt  }
0x6e: {  	_ =	shalt  }
0x6f: {  	_ =	shalt  }
0x70: {  	_ =	shalt  }
0x71: {  	_ =	shalt  }
0x72: {  	_ =	shalt  }
0x73: {  	_ =	shalt  }
0x74: {  	_ =	shalt  }
0x75: {  	_ =	shalt  }
0x76: {  	_ =	shalt  }
0x77: {  	_ =	shalt  }
0x78: {  	_ =	shalt  }
0x79: {  	_ =	shalt  }
0x7a: {  	_ =	shalt  }
0x7b: {  	_ =	shalt  }
0x7c: {  	_ =	shalt  }
0x7d: {  	_ =	shalt  }
0x7e: {  	_ =	shalt  }
0x7f: {  	_ =	shalt  }
0x80: {  	_ =	shalt  }
0x81: {  	_ =	shalt  }
0x82: {  	_ =	shalt  }
0x83: {  	_ =	shalt  }
0x84: {  	_ =	shalt  }
0x85: {  	_ =	shalt  }
0x86: {  	_ =	shalt  }
0x87: {  	_ =	shalt  }
.Lfunc_end0:
.L_simem_size_0:
called_computation.1_lowered:
.L_overlay_start_0:
0x88: {  	s2 =	sld [smem:$0x3FD9]  }
0x89: {  	s3 =	sld [smem:$0x3FFE];
	_ =	sdelay $0x1  }
0x8a: {  	s1 =	srdreg.scid  }
0x8b: {  	s0 =	sand.u32 $0x1, s1  }
0x8c: {  	s17 =	sshll.u32 s0, $0xA;
	s2 =	sadd.s32 s3, s2  }
0x8d: {  	s2 =	sadd.s32 s2, s17  }
0x8e: {  	[smem:$0x3FBE] =	sst s2  }
0x8f: {  	_ = 	snop  }
0x90: {  	s2 =	sld [smem:$0x3FD0];
	(tm) =	ssettm $0x1  }
0x91: {  	s18 =	sld [smem:$0x3FFB];
	_ =	sdelay $0x3  }
0x92: {  	_ =	strace s18  }
0x93: {  	s3 =	sld [smem:$0x3FFC];
	_ =	sdelay $0x3  }
0x94: {  	_ =	strace s3  }
0x95: {  	s3 =	sld [smem:$0x3FFD];
	_ =	sdelay $0x3  }
0x96: {  	_ =	strace s3  }
0x97: {  	_ =	strace $0x8FFFFFFF  }
0x98: {  	s19 =	sld [smem:$0x3FDB];
	_ =	sdelay $0x1  }
0x99: {  	s4 =	simm.s32 $_scs_section_size  }
0x9a: {  	s5 =	simm.s32 $_size__tile_overlayer_lowered;
	s6 =	simm.s32 $_tile_overlayer_lowered  }
0x9b: {  	s22 =	simm.s32 $0x1BFF;
	s21 =	sshll.u32 s6, $0x1;
	s3 =	sadd.s32 s4, s19  }
0x9c: {  	s7 =	simm.s32 $0x0;
	s20 =	sshll.u32 s5, $0x1;
	s5 =	sadd.s32 s21, s3  }
0x9d: {  	[timem:s7], [sflag:s22] =	dma.local [hbm:s5], s20  }
0x9e: {  	_ =	swait.ge [sflag:s22], s20  }
0x9f: {  	s4 =	ssub.s32 $0x0, s20;
	[sflag:s22] =	ssyncset.done $0x0  }
0xa0: {  	[sflag:s22] =	ssyncadd.s32 s4;
	_ =	sdelay $0x1  }
0xa1: {  	s23 =	simm.s32 $0x1B8B  }
0xa2: {  	_ =	swait.ge [sflag:s23], $0x1  }
0xa3: {  	[sflag:s23] =	ssyncset.done $0x0  }
0xa4: {  	s25 =	simm.s32 $0x1B8E;
	s24 =	sld [smem:$0x3FFE];
	[sflag:s23] =	ssyncadd.s32 $0xFFFFFFFF  }
0xa5: {  	s26 =	simm.s32 $execute0_lowered;
	[smem:$0x3FD2] =	sst s25  }
0xa6: {  	s5 =	sshll.u32 s26, $0x1;
	_ =	strace $0x80000049;
	[dreg:$0x1] =	wrdreg $0xFFFFFFFF  }
0xa7: {  	s28 =	simm.s32 $_size_execute0_lowered;
	s3 =	sadd.s32 s3, s5;
	[dreg:$0x0] =	wrdreg $0x0  }
0xa8: {  	s5 =	sshll.u32 s28, $0x1;
	[dreg:$0x2] =	wrdreg s3  }
0xa9: {  	[dreg:$0x3] =	wrdreg s5  }
0xaa: {  	[dreg:$0x4] =	wrdreg $0xC0  }
0xab: {  	_ =	task [dreg:s7], $0x5FFFF  }
0xac: {  	[dreg:$0x1] =	wrdreg $0xFFFFFFFF  }
0xad: {  	[dreg:$0x0] =	wrdreg $0x60  }
0xae: {  	[dreg:$0x2] =	wrdreg s2  }
0xaf: {  	[dreg:$0x3] =	wrdreg s24  }
0xb0: {  	[dreg:$0x4] =	wrdreg $0x9  }
0xb1: {  	_ =	task.clear_ibuf [dreg:s7], $0x5FFFF;
	_ =	strace $0x90000049  }
0xb2: {  	s29 =	simm.s32 $0x9;
	_ =	strace $0x8000004B  }
0xb3: {  	_ =	swait.ge [sflag:s29], $0x1  }
0xb4: {  	[sflag:s29] =	ssyncadd.s32 $0xFFFFFFFF  }
0xb5: {  	_ =	strace $0x9000004B  }
0xb6: {  	_ =	sfence  }
0xb7: {  	s30 =	sld [smem:$0x0];
	_ =	sdelay $0x2  }
0xb8: {  	s31 =	sshll.u32 s1, $0xD;
	s1 =	sshrl.u32 s1, $0x2  }
0xb9: {  	s3 =	sand.u32 $0x4000, s31;
	s1 =	sadd.s32 s1, s30  }
0xba: {  	s0 =	sor.u32 s3, s0;
	s1 =	sshll.u32 s1, $0x11  }
0xbb: {  	s0 =	sor.u32 s1, s0  }
0xbc: {  	s0 =	sadd.s32 $0x8F2B, s0  }
0xbd: {  	[sflag:s0] =	ssyncadd.remote.s32 $0x1  }
0xbe: {  	_ =	sfence.sel $0xFFFF  }
0xbf: {  	[dreg:$0x0] =	wrdreg $0xFFFFFFFF;
	(pc) =	sbr.abs _section_cstart, $3  }
0xc0: {  	[dreg:$0x1] =	wrdreg $0xFFFFFFFF  }
0xc1: {  	_ =	task.clear_ibuf [dreg:s7], $0x2FFFF;
	_ =	strace $0x9FFFFFFF  }
0xc2: {  	(tm) =	ssettm $0x7FFFFFFF  }
0xc3: {  	_ =	shalt  }
tec
execute0_lowered:
.L_overlay_start_1:
0x0: {  	(tag) =	ssettag $0x1  }
0x1: {  	s1 =	srdreg.scid;
	s2 =	rddreg [dreg:$0x0]  }
0x2: {  	s0 =	stileid.u32;
	s5 =	rddreg [dreg:$0x1]  }
0x3: {  	s3 =	simm.s32 $0x0;
	s11 =	simm.s32 $0x0;
	s4 =	sand.u32 $0x1, s1  }
0x4: {  	s28 =	sshll.u32 s0, $0x1;
	s1 =	rddreg [dreg:$0x2];
	s7 =	smul.u32 $0x1E000, s0  }
0x5: {  	[smem:$0x7FF] =	sst s3;
	s6 =	sor.u32 s4, s28;
	s10 =	smul.u32 $0xF000, s4  }
0x6: {  	s8 =	ssub.s32 $0x2, s4;
	_ =	strace $0x8000004A;
	s6 =	smul.u32 $0x1E0, s6  }
0x7: {  	s9 =	sshrl.u32 s8, $0x1;
	s30 =	sadd.s32 s7, s5;
	s7 =	simm.s32 $0x3  }
0x8: {  	s31 =	ssub.s32 s8, s9;
	s8 =	simm.s32 $0x78;
	s9 =	simm.s32 $0x1  }
0x9: {  	s29 =	sadd.s32 s6, s5;
	s5 =	smax.u32 s31, $0x1;
	s6 =	sadd.s32 s10, s30  }
0xa: {  	s10 =	simm.s32 $0x2;
	s4 =	sadd.s32 $0x8000, s29;
	s6 =	sadd.s32 $0xBC00, s6  }
.LBB2_1:
0xb: {  	[tilespmem:s3], [sflag:$0x3] =	stream.linear.gather [hbm4b:s4+s3], $0xF00, $0x38;
	[tilespmem:$0x8700] =	vst v63  }
0xc: {  	s12 =	sand.u32 $0x1, s3;
	_ =	swait.ge [sflag:s7], $0xF00  }
0xd: {  	p0 =	seq.s32 s12, $0x1;
	s12 =	simm.s32 $0x4B00;
	[sflag:s7] =	ssyncset.done $0x0  }
0xe: {  	s12 =	simm.s32 @!p0 $0xF00;
	[sflag:s7] =	ssyncadd.s32 $0xFFFFF100  }
0xf: {  	[tilespmem:s12], [sflag:$0x1] =	stream.indirect.gather [hbm4b:s2+s8], $0x80, s3, s8, $0xb8;
	[tilespmem:$0x8700] =	vst v63  }
0x10: {  	_ =	swait.ge [sflag:s9], $0x3C00  }
0x11: {  	[sflag:s9] =	ssyncset.done $0x0  }
0x12: {  	s13 =	simm.s32 $0x1;
	s14 =	simm.s32 $0x2;
	[sflag:s9] =	ssyncadd.s32 $0xFFFFC400  }
0x13: {  	[hbm4b:s6+s3] =	stream.linear.scatter [tilespmem:s12], [sflag:$0x2], $0x3C00, $0x38;
	[tilespmem:$0x8700] =	vst v63  }
0x14: {  	s31 =	sand.u32 $0x1, s13;
	s13 =	simm.s32 $0x78;
	_ =	swait.ge [sflag:s10], $0x3C00  }
0x15: {  	p1 =	seq.s32 s31, $0x1;
	s12 =	sadd.s32 $0x780, s6;
	[sflag:s10] =	ssyncset.done $0x0  }
.LBB2_2:
0x16: {  	s15 =	simm.s32 $0x4B00;
	[sflag:s10] =	ssyncadd.s32 $0xFFFFC400  }
0x17: {  	s16 =	smov.u32 s14;
	s17 =	sadd.s32 $0x1, s14;
	s15 =	simm.s32 @!p1 $0xF00  }
0x18: {  	[tilespmem:s15], [sflag:$0x1] =	stream.indirect.gather [hbm4b:s2+s8], $0x80, s13, s8, $0xb8;
	[tilespmem:$0x8700] =	vst v63  }
0x19: {  	p0 =	sne.s32 s14, $0x1F;
	_ =	swait.ge [sflag:s9], $0x3C00  }
.Ltmp0:
0x1a: {  	[sflag:s9] =	ssyncset.done $0x0;
	(pc) =	sbr.rel @p0 .LBB2_2-.Ltmp0, $4  }
0x1b: {  	s14 =	sand.u32 $0x1, s16;
	[sflag:s9] =	ssyncadd.s32 $0xFFFFC400  }
0x1c: {  	[hbm4b:s12+s3] =	stream.linear.scatter [tilespmem:s15], [sflag:$0x2], $0x3C00, $0x38;
	[tilespmem:$0x8700] =	vst v63  }
0x1d: {  	s13 =	sadd.s32 $0x78, s13;
	p1 =	seq.s32 s14, $0x1;
	_ =	swait.ge [sflag:s10], $0x3C00  }
0x1e: {  	s14 =	smov.u32 s17;
	s12 =	sadd.s32 $0x780, s12;
	[sflag:s10] =	ssyncset.done $0x0  }
0x1f: {  	s14 =	simm.s32 $0x4B00  }
0x20: {  	[sflag:s10] =	ssyncadd.s32 $0xFFFFC400;
	s14 =	simm.s32 @!p1 $0xF00  }
0x21: {  	[tilespmem:s14], [sflag:$0x1] =	stream.indirect.gather [hbm4b:s2+s8], $0x80, s13, s8, $0xb8;
	[tilespmem:$0x8700] =	vst v63  }
0x22: {  	s11 =	sadd.s32 $0x1, s11;
	_ =	swait.ge [sflag:s9], $0x3C00  }
0x23: {  	p0 =	sne.s32 s11, s5;
	[sflag:s9] =	ssyncset.done $0x0  }
.Ltmp1:
0x24: {  	[sflag:s9] =	ssyncadd.s32 $0xFFFFC400;
	(pc) =	sbr.rel @p0 .LBB2_1-.Ltmp1, $4  }
0x25: {  	[hbm4b:s12+s3] =	stream.linear.scatter [tilespmem:s14], [sflag:$0x2], $0x3C00, $0x38;
	[tilespmem:$0x8700] =	vst v63  }
0x26: {  	_ =	swait.ge [sflag:s10], $0x3C00  }
0x27: {  	[sflag:s10] =	ssyncset.done $0x0  }
0x28: {  	[sflag:s10] =	ssyncadd.s32 $0xFFFFC400  }
0x29: {  	_ =	sfence.sel $0x180000  }
0x2a: {  	[bflag:$0x0] =	sbarrier.arrive $0xFFFF  }
0x2b: {  	p0 =	sne.s32 s0, $0x0;
	_ =	strace $0x9000004A  }
0x2c: {  	s0 =	sadd.s32 @!p0 $0x100000, s1;
	[bflag:$0x2] =	sbarrier.arrive $0xFFFF  }
0x2d: {  	[sflag:s0] =	ssyncadd.tile.s32 @!p0 $0x1;
	_ =	shalt  }
.Lfunc_end2:
_tile_overlayer_lowered:
.L_overlay_start_2:
0x2e: {  	(tag) =	ssettag $0x2  }
0x2f: {  	s0 =	rddreg [dreg:$0x0];
	s2 =	stileid.u32  }
0x30: {  	s1 =	rddreg [dreg:$0x1];
	p0 =	sne.s32 s2, $0x0  }
0x31: {  	s3 =	rddreg [dreg:$0x2];
	[bflag:$0x3] =	sbarrier.arrive $0xFFFF;
	s2 =	simm.s32 @!p0 $0x1C03  }
0x32: {  	[timem:s3], [sflag:s2] =	dma.local @!p0 [hbm:s0], s1  }
0x33: {  	s0 =	simm.s32 @!p0 $0x3  }
0x34: {  	_ =	swait.ge @!p0 [sflag:s0], s1  }
0x35: {  	s1 =	ssub.s32 @!p0 $0x0, s1;
	[sflag:s0] =	ssyncset.done @!p0 $0x0  }
0x36: {  	[sflag:s0] =	ssyncadd.s32 @!p0 s1  }
0x37: {  	[bflag:$0x3] =	sbarrier.arrive $0xFFFF  }
0x38: {  	_ =	shalt  }

// kernel: kernel.25.cloned.1.call-start
scs
__scs_entry_jumppad:
0x0: {  	(pc) =	sbr.rel $0x88, $3  }
0x1: {  	(tag) =	ssettag $0x0;
	lr =	simm.s32 $0x1  }
0x2: {  	[smem:$0x3F97] =	sst lr;
	_ =	strace $0xD0000000  }
0x3: {  	_ = 	snop  }
0x4: {  	_ = 	snop  }
0x5: {  	_ = 	snop  }
0x6: {  	_ = 	snop  }
0x7: {  	_ = 	snop  }
__scs_overlays_trampoline_lowered:
0x8: {  	[smem:$0x3FA6] =	sst s0  }
0x9: {  	[smem:$0x3FA7] =	sst s1  }
0xa: {  	[smem:$0x3FA8] =	sst s2  }
0xb: {  	[smem:$0x3FA9] =	sst s3  }
0xc: {  	[smem:$0x3FAA] =	sst s4  }
0xd: {  	[smem:$0x3FAB] =	sst s5  }
0xe: {  	[smem:$0x3FAC] =	sst s6  }
0xf: {  	[smem:$0x3FAD] =	sst s7  }
0x10: {  	[smem:$0x3FAE] =	sst s8  }
0x11: {  	[smem:$0x3FAF] =	sst s9;
	s0 =	simm.s32 @!p0 $0x0  }
0x12: {  	s1 =	sld [smem:$0x3F95];
	s0 =	simm.s32 @p0 $0x1  }
0x13: {  	[smem:$0x3FB0] =	sst s0;
	s0 =	simm.s32 @!p1 $0x0  }
0x14: {  	s2 =	sld [smem:$0x3F94];
	s0 =	simm.s32 @p1 $0x1  }
0x15: {  	[smem:$0x3FB1] =	sst s0;
	s0 =	simm.s32 @!p2 $0x0  }
0x16: {  	s3 =	sld [smem:$0x3FDB];
	s0 =	simm.s32 @p2 $0x1  }
0x17: {  	s4 =	simm.s32 $0x1BF5;
	[smem:$0x3FB3] =	sst s0  }
0x18: {  	s0 =	sld [smem:$0x3F96];
	_ =	swait.ge [sflag:s4], $0x0  }
0x19: {  	s7 =	sld [smem:$0x3F97]  }
0x1a: {  	s8 =	sadd.s32 $0xFFFFE003, lr  }
0x1b: {  	s9 =	sadd.s32 $0xFFFFFEF7, lr;
	s5 =	simm.s32 $0xFFFFFFFF;
	p2 =	slt.u32 s8, $0xFFFFF086  }
0x1c: {  	p1 =	slt.u32 s9, $0xF7A;
	s5 =	simm.s32 @!p2 $0x0  }
0x1d: {  	s5 =	simm.s32 @p1 $0x1;
	p0 =	seq.s32 s7, s2  }
0x1e: {  	s7 =	smul.u32 @!p0 $0xF7A, s2;
	p2 =	seq.s32 @!p0 s5, $0x0  }
0x1f: {  	s9 =	smul.u32 $0xF7A, s1;
	s8 =	simm.s32 @!p0 $0x1BF5;
	p2 =	por !p2, p0  }
0x20: {  	[sflag:s8] =	ssyncset.s32 @!p0 $0xFFFFF086;
	s6 =	sadd.s32 @!p0 s3, s7;
	s7 =	simm.s32 @!p0 $0x108  }
0x21: {  	s3 =	sadd.s32 s3, s9;
	s6 =	sadd.s32 @!p0 $0x88, s6;
	s7 =	simm.s32 @p2 $0x1082  }
0x22: {  	[simem:s7], [sflag:s8] =	dma.local @!p0 [hbm:s6], $0xF7A  }
0x23: {  	s9 =	sor.u32 $0xD0000000, s2;
	s6 =	simm.s32 $0x108;
	_ =	swait.ge @!p0 [sflag:s8], $0x0  }
0x24: {  	s3 =	sadd.s32 $0x88, s3;
	s6 =	simm.s32 @!p1 $0x1082;
	[sflag:s4] =	ssyncset.s32 $0xFFFFF086  }
0x25: {  	[simem:s6], [sflag:s4] =	dma.local [hbm:s3], $0xF7A  }
0x26: {  	[smem:$0x3F97] =	sst s1;
	(tag) =	ssettag s2;
	_ =	strace s9  }
0x27: {  	s1 =	sld [smem:$0x3FA7]  }
0x28: {  	s2 =	sld [smem:$0x3FA8]  }
0x29: {  	s4 =	sld [smem:$0x3FAA]  }
0x2a: {  	p0 =	seq.s32 s5, $0x0;
	s5 =	sld [smem:$0x3FAB]  }
0x2b: {  	s6 =	sld [smem:$0x3FAC]  }
0x2c: {  	s7 =	sld [smem:$0x3FAD]  }
0x2d: {  	s3 =	simm.s32 $0x108;
	s8 =	sld [smem:$0x3FAE]  }
0x2e: {  	s3 =	simm.s32 @!p0 $0x1082;
	s9 =	sld [smem:$0x3FAF]  }
0x2f: {  	lr =	sadd.s32 s0, s3;
	s0 =	sld [smem:$0x3FA6]  }
0x30: {  	s3 =	sld [smem:$0x3FA9]  }
0x31: {  	[smem:$0x3FB2] =	sst s10  }
0x32: {  	s10 =	sld [smem:$0x3FB0];
	_ =	sdelay $0x3  }
0x33: {  	p0 =	seq.s32 s10, $0x1;
	s10 =	sld [smem:$0x3FB2];
	_ =	sdelay $0x3  }
0x34: {  	[smem:$0x3FB2] =	sst s10  }
0x35: {  	s10 =	sld [smem:$0x3FB1];
	_ =	sdelay $0x3  }
0x36: {  	p1 =	seq.s32 s10, $0x1;
	s10 =	sld [smem:$0x3FB2];
	_ =	sdelay $0x3  }
0x37: {  	[smem:$0x3FB2] =	sst s10  }
0x38: {  	s10 =	sld [smem:$0x3FB3]  }
0x39: {  	_ = 	snop;
	(pc) =	sbr.ind lr, $3  }
0x3a: {  	_ = 	snop  }
0x3b: {  	_ = 	snop  }
0x3c: {  	p2 =	seq.s32 s10, $0x1;
	s10 =	sld [smem:$0x3FB2]  }
0x3d: {  	_ =	shalt  }
0x3e: {  	_ =	shalt  }
0x3f: {  	_ =	shalt  }
0x40: {  	_ =	shalt  }
0x41: {  	_ =	shalt  }
0x42: {  	_ =	shalt  }
0x43: {  	_ =	shalt  }
0x44: {  	_ =	shalt  }
0x45: {  	_ =	shalt  }
0x46: {  	_ =	shalt  }
0x47: {  	_ =	shalt  }
0x48: {  	_ =	shalt  }
0x49: {  	_ =	shalt  }
0x4a: {  	_ =	shalt  }
0x4b: {  	_ =	shalt  }
0x4c: {  	_ =	shalt  }
0x4d: {  	_ =	shalt  }
0x4e: {  	_ =	shalt  }
0x4f: {  	_ =	shalt  }
0x50: {  	_ =	shalt  }
0x51: {  	_ =	shalt  }
0x52: {  	_ =	shalt  }
0x53: {  	_ =	shalt  }
0x54: {  	_ =	shalt  }
0x55: {  	_ =	shalt  }
0x56: {  	_ =	shalt  }
0x57: {  	_ =	shalt  }
0x58: {  	_ =	shalt  }
0x59: {  	_ =	shalt  }
0x5a: {  	_ =	shalt  }
0x5b: {  	_ =	shalt  }
0x5c: {  	_ =	shalt  }
0x5d: {  	_ =	shalt  }
0x5e: {  	_ =	shalt  }
0x5f: {  	_ =	shalt  }
0x60: {  	_ =	shalt  }
0x61: {  	_ =	shalt  }
0x62: {  	_ =	shalt  }
0x63: {  	_ =	shalt  }
0x64: {  	_ =	shalt  }
0x65: {  	_ =	shalt  }
0x66: {  	_ =	shalt  }
0x67: {  	_ =	shalt  }
0x68: {  	_ =	shalt  }
0x69: {  	_ =	shalt  }
0x6a: {  	_ =	shalt  }
0x6b: {  	_ =	shalt  }
0x6c: {  	_ =	shalt  }
0x6d: {  	_ =	shalt  }
0x6e: {  	_ =	shalt  }
0x6f: {  	_ =	shalt  }
0x70: {  	_ =	shalt  }
0x71: {  	_ =	shalt  }
0x72: {  	_ =	shalt  }
0x73: {  	_ =	shalt  }
0x74: {  	_ =	shalt  }
0x75: {  	_ =	shalt  }
0x76: {  	_ =	shalt  }
0x77: {  	_ =	shalt  }
0x78: {  	_ =	shalt  }
0x79: {  	_ =	shalt  }
0x7a: {  	_ =	shalt  }
0x7b: {  	_ =	shalt  }
0x7c: {  	_ =	shalt  }
0x7d: {  	_ =	shalt  }
0x7e: {  	_ =	shalt  }
0x7f: {  	_ =	shalt  }
0x80: {  	_ =	shalt  }
0x81: {  	_ =	shalt  }
0x82: {  	_ =	shalt  }
0x83: {  	_ =	shalt  }
0x84: {  	_ =	shalt  }
0x85: {  	_ =	shalt  }
0x86: {  	_ =	shalt  }
0x87: {  	_ =	shalt  }
.Lfunc_end0:
.L_simem_size_0:
called_computation.2_lowered:
.L_overlay_start_0:
0x88: {  	s2 =	sld [smem:$0x3FD9]  }
0x89: {  	s3 =	sld [smem:$0x3FFE];
	_ =	sdelay $0x1  }
0x8a: {  	s1 =	srdreg.scid  }
0x8b: {  	s0 =	sand.u32 $0x1, s1  }
0x8c: {  	s17 =	sshll.u32 s0, $0xA;
	s2 =	sadd.s32 s3, s2  }
0x8d: {  	s2 =	sadd.s32 s2, s17  }
0x8e: {  	[smem:$0x3FBE] =	sst s2  }
0x8f: {  	_ = 	snop  }
0x90: {  	s2 =	sld [smem:$0x3FD0];
	(tm) =	ssettm $0x1  }
0x91: {  	s18 =	sld [smem:$0x3FFB];
	_ =	sdelay $0x3  }
0x92: {  	_ =	strace s18  }
0x93: {  	s3 =	sld [smem:$0x3FFC];
	_ =	sdelay $0x3  }
0x94: {  	_ =	strace s3  }
0x95: {  	s3 =	sld [smem:$0x3FFD];
	_ =	sdelay $0x3  }
0x96: {  	_ =	strace s3  }
0x97: {  	_ =	strace $0x8FFFFFFF  }
0x98: {  	s19 =	sld [smem:$0x3FDB];
	_ =	sdelay $0x1  }
0x99: {  	s4 =	simm.s32 $_scs_section_size  }
0x9a: {  	s5 =	simm.s32 $_size__tile_overlayer_lowered;
	s6 =	simm.s32 $_tile_overlayer_lowered  }
0x9b: {  	s22 =	simm.s32 $0x1BFF;
	s21 =	sshll.u32 s6, $0x1;
	s3 =	sadd.s32 s4, s19  }
0x9c: {  	s7 =	simm.s32 $0x0;
	s20 =	sshll.u32 s5, $0x1;
	s5 =	sadd.s32 s21, s3  }
0x9d: {  	[timem:s7], [sflag:s22] =	dma.local [hbm:s5], s20  }
0x9e: {  	_ =	swait.ge [sflag:s22], s20  }
0x9f: {  	s4 =	ssub.s32 $0x0, s20;
	[sflag:s22] =	ssyncset.done $0x0  }
0xa0: {  	[sflag:s22] =	ssyncadd.s32 s4;
	_ =	sdelay $0x1  }
0xa1: {  	s23 =	simm.s32 $0x1B8B  }
0xa2: {  	_ =	swait.ge [sflag:s23], $0x1  }
0xa3: {  	[sflag:s23] =	ssyncset.done $0x0  }
0xa4: {  	s25 =	simm.s32 $0x1B8E;
	s24 =	sld [smem:$0x3FFE];
	[sflag:s23] =	ssyncadd.s32 $0xFFFFFFFF  }
0xa5: {  	s26 =	simm.s32 $execute0_lowered;
	[smem:$0x3FD2] =	sst s25  }
0xa6: {  	s5 =	sshll.u32 s26, $0x1;
	_ =	strace $0x8000004C;
	[dreg:$0x1] =	wrdreg $0xFFFFFFFF  }
0xa7: {  	s28 =	simm.s32 $_size_execute0_lowered;
	s3 =	sadd.s32 s3, s5;
	[dreg:$0x0] =	wrdreg $0x0  }
0xa8: {  	s5 =	sshll.u32 s28, $0x1;
	[dreg:$0x2] =	wrdreg s3  }
0xa9: {  	[dreg:$0x3] =	wrdreg s5  }
0xaa: {  	[dreg:$0x4] =	wrdreg $0xC0  }
0xab: {  	_ =	task [dreg:s7], $0x5FFFF  }
0xac: {  	[dreg:$0x1] =	wrdreg $0xFFFFFFFF  }
0xad: {  	[dreg:$0x0] =	wrdreg $0x60  }
0xae: {  	[dreg:$0x2] =	wrdreg s2  }
0xaf: {  	[dreg:$0x3] =	wrdreg s24  }
0xb0: {  	[dreg:$0x4] =	wrdreg $0x9  }
0xb1: {  	_ =	task.clear_ibuf [dreg:s7], $0x5FFFF;
	_ =	strace $0x9000004C  }
0xb2: {  	s29 =	simm.s32 $0x9;
	_ =	strace $0x8000004E  }
0xb3: {  	_ =	swait.ge [sflag:s29], $0x1  }
0xb4: {  	[sflag:s29] =	ssyncadd.s32 $0xFFFFFFFF  }
0xb5: {  	_ =	strace $0x9000004E  }
0xb6: {  	_ =	sfence  }
0xb7: {  	s30 =	sld [smem:$0x0];
	_ =	sdelay $0x2  }
0xb8: {  	s31 =	sshll.u32 s1, $0xD;
	s1 =	sshrl.u32 s1, $0x2  }
0xb9: {  	s3 =	sand.u32 $0x4000, s31;
	s1 =	sadd.s32 s1, s30  }
0xba: {  	s0 =	sor.u32 s3, s0;
	s1 =	sshll.u32 s1, $0x11  }
0xbb: {  	s0 =	sor.u32 s1, s0  }
0xbc: {  	s0 =	sadd.s32 $0x8F2B, s0  }
0xbd: {  	[sflag:s0] =	ssyncadd.remote.s32 $0x1  }
0xbe: {  	_ =	sfence.sel $0xFFFF  }
0xbf: {  	[dreg:$0x0] =	wrdreg $0xFFFFFFFF;
	(pc) =	sbr.abs _section_cstart, $3  }
0xc0: {  	[dreg:$0x1] =	wrdreg $0xFFFFFFFF  }
0xc1: {  	_ =	task.clear_ibuf [dreg:s7], $0x2FFFF;
	_ =	strace $0x9FFFFFFF  }
0xc2: {  	(tm) =	ssettm $0x7FFFFFFF  }
0xc3: {  	_ =	shalt  }
tec
execute0_lowered:
.L_overlay_start_1:
0x0: {  	(tag) =	ssettag $0x1  }
0x1: {  	s1 =	srdreg.scid;
	s2 =	rddreg [dreg:$0x0]  }
0x2: {  	s0 =	stileid.u32;
	s5 =	rddreg [dreg:$0x1]  }
0x3: {  	s3 =	simm.s32 $0x0;
	s11 =	simm.s32 $0x0;
	s4 =	sand.u32 $0x1, s1  }
0x4: {  	s28 =	sshll.u32 s0, $0x1;
	s1 =	rddreg [dreg:$0x2];
	s7 =	smul.u32 $0x1E000, s0  }
0x5: {  	[smem:$0x7FF] =	sst s3;
	s6 =	sor.u32 s4, s28;
	s10 =	smul.u32 $0xF000, s4  }
0x6: {  	s8 =	ssub.s32 $0x2, s4;
	_ =	strace $0x8000004D;
	s6 =	smul.u32 $0x1E0, s6  }
0x7: {  	s9 =	sshrl.u32 s8, $0x1;
	s30 =	sadd.s32 s7, s5;
	s7 =	simm.s32 $0x3  }
0x8: {  	s31 =	ssub.s32 s8, s9;
	s8 =	simm.s32 $0x78;
	s9 =	simm.s32 $0x1  }
0x9: {  	s29 =	sadd.s32 s6, s5;
	s5 =	smax.u32 s31, $0x1;
	s6 =	sadd.s32 s10, s30  }
0xa: {  	s10 =	simm.s32 $0x2;
	s4 =	sadd.s32 $0x10000, s29;
	s6 =	sadd.s32 $0x13C00, s6  }
.LBB2_1:
0xb: {  	[tilespmem:s3], [sflag:$0x3] =	stream.linear.gather [hbm4b:s4+s3], $0xF00, $0x38;
	[tilespmem:$0x8700] =	vst v63  }
0xc: {  	s12 =	sand.u32 $0x1, s3;
	_ =	swait.ge [sflag:s7], $0xF00  }
0xd: {  	p0 =	seq.s32 s12, $0x1;
	s12 =	simm.s32 $0x4B00;
	[sflag:s7] =	ssyncset.done $0x0  }
0xe: {  	s12 =	simm.s32 @!p0 $0xF00;
	[sflag:s7] =	ssyncadd.s32 $0xFFFFF100  }
0xf: {  	[tilespmem:s12], [sflag:$0x1] =	stream.indirect.gather [hbm4b:s2+s8], $0x80, s3, s8, $0xb8;
	[tilespmem:$0x8700] =	vst v63  }
0x10: {  	_ =	swait.ge [sflag:s9], $0x3C00  }
0x11: {  	[sflag:s9] =	ssyncset.done $0x0  }
0x12: {  	s13 =	simm.s32 $0x1;
	s14 =	simm.s32 $0x2;
	[sflag:s9] =	ssyncadd.s32 $0xFFFFC400  }
0x13: {  	[hbm4b:s6+s3] =	stream.linear.scatter [tilespmem:s12], [sflag:$0x2], $0x3C00, $0x38;
	[tilespmem:$0x8700] =	vst v63  }
0x14: {  	s31 =	sand.u32 $0x1, s13;
	s13 =	simm.s32 $0x78;
	_ =	swait.ge [sflag:s10], $0x3C00  }
0x15: {  	p1 =	seq.s32 s31, $0x1;
	s12 =	sadd.s32 $0x780, s6;
	[sflag:s10] =	ssyncset.done $0x0  }
.LBB2_2:
0x16: {  	s15 =	simm.s32 $0x4B00;
	[sflag:s10] =	ssyncadd.s32 $0xFFFFC400  }
0x17: {  	s16 =	smov.u32 s14;
	s17 =	sadd.s32 $0x1, s14;
	s15 =	simm.s32 @!p1 $0xF00  }
0x18: {  	[tilespmem:s15], [sflag:$0x1] =	stream.indirect.gather [hbm4b:s2+s8], $0x80, s13, s8, $0xb8;
	[tilespmem:$0x8700] =	vst v63  }
0x19: {  	p0 =	sne.s32 s14, $0x1F;
	_ =	swait.ge [sflag:s9], $0x3C00  }
.Ltmp0:
0x1a: {  	[sflag:s9] =	ssyncset.done $0x0;
	(pc) =	sbr.rel @p0 .LBB2_2-.Ltmp0, $4  }
0x1b: {  	s14 =	sand.u32 $0x1, s16;
	[sflag:s9] =	ssyncadd.s32 $0xFFFFC400  }
0x1c: {  	[hbm4b:s12+s3] =	stream.linear.scatter [tilespmem:s15], [sflag:$0x2], $0x3C00, $0x38;
	[tilespmem:$0x8700] =	vst v63  }
0x1d: {  	s13 =	sadd.s32 $0x78, s13;
	p1 =	seq.s32 s14, $0x1;
	_ =	swait.ge [sflag:s10], $0x3C00  }
0x1e: {  	s14 =	smov.u32 s17;
	s12 =	sadd.s32 $0x780, s12;
	[sflag:s10] =	ssyncset.done $0x0  }
0x1f: {  	s14 =	simm.s32 $0x4B00  }
0x20: {  	[sflag:s10] =	ssyncadd.s32 $0xFFFFC400;
	s14 =	simm.s32 @!p1 $0xF00  }
0x21: {  	[tilespmem:s14], [sflag:$0x1] =	stream.indirect.gather [hbm4b:s2+s8], $0x80, s13, s8, $0xb8;
	[tilespmem:$0x8700] =	vst v63  }
0x22: {  	s11 =	sadd.s32 $0x1, s11;
	_ =	swait.ge [sflag:s9], $0x3C00  }
0x23: {  	p0 =	sne.s32 s11, s5;
	[sflag:s9] =	ssyncset.done $0x0  }
.Ltmp1:
0x24: {  	[sflag:s9] =	ssyncadd.s32 $0xFFFFC400;
	(pc) =	sbr.rel @p0 .LBB2_1-.Ltmp1, $4  }
0x25: {  	[hbm4b:s12+s3] =	stream.linear.scatter [tilespmem:s14], [sflag:$0x2], $0x3C00, $0x38;
	[tilespmem:$0x8700] =	vst v63  }
0x26: {  	_ =	swait.ge [sflag:s10], $0x3C00  }
0x27: {  	[sflag:s10] =	ssyncset.done $0x0  }
0x28: {  	[sflag:s10] =	ssyncadd.s32 $0xFFFFC400  }
0x29: {  	_ =	sfence.sel $0x180000  }
0x2a: {  	[bflag:$0x0] =	sbarrier.arrive $0xFFFF  }
0x2b: {  	p0 =	sne.s32 s0, $0x0;
	_ =	strace $0x9000004D  }
0x2c: {  	s0 =	sadd.s32 @!p0 $0x100000, s1;
	[bflag:$0x2] =	sbarrier.arrive $0xFFFF  }
0x2d: {  	[sflag:s0] =	ssyncadd.tile.s32 @!p0 $0x1;
	_ =	shalt  }
.Lfunc_end2:
_tile_overlayer_lowered:
.L_overlay_start_2:
0x2e: {  	(tag) =	ssettag $0x2  }
0x2f: {  	s0 =	rddreg [dreg:$0x0];
	s2 =	stileid.u32  }
0x30: {  	s1 =	rddreg [dreg:$0x1];
	p0 =	sne.s32 s2, $0x0  }
0x31: {  	s3 =	rddreg [dreg:$0x2];
	[bflag:$0x3] =	sbarrier.arrive $0xFFFF;
	s2 =	simm.s32 @!p0 $0x1C03  }
0x32: {  	[timem:s3], [sflag:s2] =	dma.local @!p0 [hbm:s0], s1  }
0x33: {  	s0 =	simm.s32 @!p0 $0x3  }
0x34: {  	_ =	swait.ge @!p0 [sflag:s0], s1  }
0x35: {  	s1 =	ssub.s32 @!p0 $0x0, s1;
	[sflag:s0] =	ssyncset.done @!p0 $0x0  }
0x36: {  	[sflag:s0] =	ssyncadd.s32 @!p0 s1  }
0x37: {  	[bflag:$0x3] =	sbarrier.arrive $0xFFFF  }
0x38: {  	_ =	shalt  }

// kernel: kernel.28.cloned.1.call-start
scs
__scs_entry_jumppad:
0x0: {  	(pc) =	sbr.rel $0x88, $3  }
0x1: {  	(tag) =	ssettag $0x0;
	lr =	simm.s32 $0x1  }
0x2: {  	[smem:$0x3F97] =	sst lr;
	_ =	strace $0xD0000000  }
0x3: {  	_ = 	snop  }
0x4: {  	_ = 	snop  }
0x5: {  	_ = 	snop  }
0x6: {  	_ = 	snop  }
0x7: {  	_ = 	snop  }
__scs_overlays_trampoline_lowered:
0x8: {  	[smem:$0x3FA6] =	sst s0  }
0x9: {  	[smem:$0x3FA7] =	sst s1  }
0xa: {  	[smem:$0x3FA8] =	sst s2  }
0xb: {  	[smem:$0x3FA9] =	sst s3  }
0xc: {  	[smem:$0x3FAA] =	sst s4  }
0xd: {  	[smem:$0x3FAB] =	sst s5  }
0xe: {  	[smem:$0x3FAC] =	sst s6  }
0xf: {  	[smem:$0x3FAD] =	sst s7  }
0x10: {  	[smem:$0x3FAE] =	sst s8  }
0x11: {  	[smem:$0x3FAF] =	sst s9;
	s0 =	simm.s32 @!p0 $0x0  }
0x12: {  	s1 =	sld [smem:$0x3F95];
	s0 =	simm.s32 @p0 $0x1  }
0x13: {  	[smem:$0x3FB0] =	sst s0;
	s0 =	simm.s32 @!p1 $0x0  }
0x14: {  	s2 =	sld [smem:$0x3F94];
	s0 =	simm.s32 @p1 $0x1  }
0x15: {  	[smem:$0x3FB1] =	sst s0;
	s0 =	simm.s32 @!p2 $0x0  }
0x16: {  	s3 =	sld [smem:$0x3FDB];
	s0 =	simm.s32 @p2 $0x1  }
0x17: {  	s4 =	simm.s32 $0x1BF5;
	[smem:$0x3FB3] =	sst s0  }
0x18: {  	s0 =	sld [smem:$0x3F96];
	_ =	swait.ge [sflag:s4], $0x0  }
0x19: {  	s7 =	sld [smem:$0x3F97]  }
0x1a: {  	s8 =	sadd.s32 $0xFFFFE003, lr  }
0x1b: {  	s9 =	sadd.s32 $0xFFFFFEF7, lr;
	s5 =	simm.s32 $0xFFFFFFFF;
	p2 =	slt.u32 s8, $0xFFFFF086  }
0x1c: {  	p1 =	slt.u32 s9, $0xF7A;
	s5 =	simm.s32 @!p2 $0x0  }
0x1d: {  	s5 =	simm.s32 @p1 $0x1;
	p0 =	seq.s32 s7, s2  }
0x1e: {  	s7 =	smul.u32 @!p0 $0xF7A, s2;
	p2 =	seq.s32 @!p0 s5, $0x0  }
0x1f: {  	s9 =	smul.u32 $0xF7A, s1;
	s8 =	simm.s32 @!p0 $0x1BF5;
	p2 =	por !p2, p0  }
0x20: {  	[sflag:s8] =	ssyncset.s32 @!p0 $0xFFFFF086;
	s6 =	sadd.s32 @!p0 s3, s7;
	s7 =	simm.s32 @!p0 $0x108  }
0x21: {  	s3 =	sadd.s32 s3, s9;
	s6 =	sadd.s32 @!p0 $0x88, s6;
	s7 =	simm.s32 @p2 $0x1082  }
0x22: {  	[simem:s7], [sflag:s8] =	dma.local @!p0 [hbm:s6], $0xF7A  }
0x23: {  	s9 =	sor.u32 $0xD0000000, s2;
	s6 =	simm.s32 $0x108;
	_ =	swait.ge @!p0 [sflag:s8], $0x0  }
0x24: {  	s3 =	sadd.s32 $0x88, s3;
	s6 =	simm.s32 @!p1 $0x1082;
	[sflag:s4] =	ssyncset.s32 $0xFFFFF086  }
0x25: {  	[simem:s6], [sflag:s4] =	dma.local [hbm:s3], $0xF7A  }
0x26: {  	[smem:$0x3F97] =	sst s1;
	(tag) =	ssettag s2;
	_ =	strace s9  }
0x27: {  	s1 =	sld [smem:$0x3FA7]  }
0x28: {  	s2 =	sld [smem:$0x3FA8]  }
0x29: {  	s4 =	sld [smem:$0x3FAA]  }
0x2a: {  	p0 =	seq.s32 s5, $0x0;
	s5 =	sld [smem:$0x3FAB]  }
0x2b: {  	s6 =	sld [smem:$0x3FAC]  }
0x2c: {  	s7 =	sld [smem:$0x3FAD]  }
0x2d: {  	s3 =	simm.s32 $0x108;
	s8 =	sld [smem:$0x3FAE]  }
0x2e: {  	s3 =	simm.s32 @!p0 $0x1082;
	s9 =	sld [smem:$0x3FAF]  }
0x2f: {  	lr =	sadd.s32 s0, s3;
	s0 =	sld [smem:$0x3FA6]  }
0x30: {  	s3 =	sld [smem:$0x3FA9]  }
0x31: {  	[smem:$0x3FB2] =	sst s10  }
0x32: {  	s10 =	sld [smem:$0x3FB0];
	_ =	sdelay $0x3  }
0x33: {  	p0 =	seq.s32 s10, $0x1;
	s10 =	sld [smem:$0x3FB2];
	_ =	sdelay $0x3  }
0x34: {  	[smem:$0x3FB2] =	sst s10  }
0x35: {  	s10 =	sld [smem:$0x3FB1];
	_ =	sdelay $0x3  }
0x36: {  	p1 =	seq.s32 s10, $0x1;
	s10 =	sld [smem:$0x3FB2];
	_ =	sdelay $0x3  }
0x37: {  	[smem:$0x3FB2] =	sst s10  }
0x38: {  	s10 =	sld [smem:$0x3FB3]  }
0x39: {  	_ = 	snop;
	(pc) =	sbr.ind lr, $3  }
0x3a: {  	_ = 	snop  }
0x3b: {  	_ = 	snop  }
0x3c: {  	p2 =	seq.s32 s10, $0x1;
	s10 =	sld [smem:$0x3FB2]  }
0x3d: {  	_ =	shalt  }
0x3e: {  	_ =	shalt  }
0x3f: {  	_ =	shalt  }
0x40: {  	_ =	shalt  }
0x41: {  	_ =	shalt  }
0x42: {  	_ =	shalt  }
0x43: {  	_ =	shalt  }
0x44: {  	_ =	shalt  }
0x45: {  	_ =	shalt  }
0x46: {  	_ =	shalt  }
0x47: {  	_ =	shalt  }
0x48: {  	_ =	shalt  }
0x49: {  	_ =	shalt  }
0x4a: {  	_ =	shalt  }
0x4b: {  	_ =	shalt  }
0x4c: {  	_ =	shalt  }
0x4d: {  	_ =	shalt  }
0x4e: {  	_ =	shalt  }
0x4f: {  	_ =	shalt  }
0x50: {  	_ =	shalt  }
0x51: {  	_ =	shalt  }
0x52: {  	_ =	shalt  }
0x53: {  	_ =	shalt  }
0x54: {  	_ =	shalt  }
0x55: {  	_ =	shalt  }
0x56: {  	_ =	shalt  }
0x57: {  	_ =	shalt  }
0x58: {  	_ =	shalt  }
0x59: {  	_ =	shalt  }
0x5a: {  	_ =	shalt  }
0x5b: {  	_ =	shalt  }
0x5c: {  	_ =	shalt  }
0x5d: {  	_ =	shalt  }
0x5e: {  	_ =	shalt  }
0x5f: {  	_ =	shalt  }
0x60: {  	_ =	shalt  }
0x61: {  	_ =	shalt  }
0x62: {  	_ =	shalt  }
0x63: {  	_ =	shalt  }
0x64: {  	_ =	shalt  }
0x65: {  	_ =	shalt  }
0x66: {  	_ =	shalt  }
0x67: {  	_ =	shalt  }
0x68: {  	_ =	shalt  }
0x69: {  	_ =	shalt  }
0x6a: {  	_ =	shalt  }
0x6b: {  	_ =	shalt  }
0x6c: {  	_ =	shalt  }
0x6d: {  	_ =	shalt  }
0x6e: {  	_ =	shalt  }
0x6f: {  	_ =	shalt  }
0x70: {  	_ =	shalt  }
0x71: {  	_ =	shalt  }
0x72: {  	_ =	shalt  }
0x73: {  	_ =	shalt  }
0x74: {  	_ =	shalt  }
0x75: {  	_ =	shalt  }
0x76: {  	_ =	shalt  }
0x77: {  	_ =	shalt  }
0x78: {  	_ =	shalt  }
0x79: {  	_ =	shalt  }
0x7a: {  	_ =	shalt  }
0x7b: {  	_ =	shalt  }
0x7c: {  	_ =	shalt  }
0x7d: {  	_ =	shalt  }
0x7e: {  	_ =	shalt  }
0x7f: {  	_ =	shalt  }
0x80: {  	_ =	shalt  }
0x81: {  	_ =	shalt  }
0x82: {  	_ =	shalt  }
0x83: {  	_ =	shalt  }
0x84: {  	_ =	shalt  }
0x85: {  	_ =	shalt  }
0x86: {  	_ =	shalt  }
0x87: {  	_ =	shalt  }
.Lfunc_end0:
.L_simem_size_0:
called_computation.3_lowered:
.L_overlay_start_0:
0x88: {  	s2 =	sld [smem:$0x3FD9]  }
0x89: {  	s3 =	sld [smem:$0x3FFE];
	_ =	sdelay $0x1  }
0x8a: {  	s1 =	srdreg.scid  }
0x8b: {  	s0 =	sand.u32 $0x1, s1  }
0x8c: {  	s17 =	sshll.u32 s0, $0xA;
	s2 =	sadd.s32 s3, s2  }
0x8d: {  	s2 =	sadd.s32 s2, s17  }
0x8e: {  	[smem:$0x3FBE] =	sst s2  }
0x8f: {  	_ = 	snop  }
0x90: {  	s2 =	sld [smem:$0x3FD0];
	(tm) =	ssettm $0x1  }
0x91: {  	s18 =	sld [smem:$0x3FFB];
	_ =	sdelay $0x3  }
0x92: {  	_ =	strace s18  }
0x93: {  	s3 =	sld [smem:$0x3FFC];
	_ =	sdelay $0x3  }
0x94: {  	_ =	strace s3  }
0x95: {  	s3 =	sld [smem:$0x3FFD];
	_ =	sdelay $0x3  }
0x96: {  	_ =	strace s3  }
0x97: {  	_ =	strace $0x8FFFFFFF  }
0x98: {  	s19 =	sld [smem:$0x3FDB];
	_ =	sdelay $0x1  }
0x99: {  	s4 =	simm.s32 $_scs_section_size  }
0x9a: {  	s5 =	simm.s32 $_size__tile_overlayer_lowered;
	s6 =	simm.s32 $_tile_overlayer_lowered  }
0x9b: {  	s22 =	simm.s32 $0x1BFF;
	s21 =	sshll.u32 s6, $0x1;
	s3 =	sadd.s32 s4, s19  }
0x9c: {  	s7 =	simm.s32 $0x0;
	s20 =	sshll.u32 s5, $0x1;
	s5 =	sadd.s32 s21, s3  }
0x9d: {  	[timem:s7], [sflag:s22] =	dma.local [hbm:s5], s20  }
0x9e: {  	_ =	swait.ge [sflag:s22], s20  }
0x9f: {  	s4 =	ssub.s32 $0x0, s20;
	[sflag:s22] =	ssyncset.done $0x0  }
0xa0: {  	[sflag:s22] =	ssyncadd.s32 s4;
	_ =	sdelay $0x1  }
0xa1: {  	s23 =	simm.s32 $0x1B8B  }
0xa2: {  	_ =	swait.ge [sflag:s23], $0x1  }
0xa3: {  	[sflag:s23] =	ssyncset.done $0x0  }
0xa4: {  	s25 =	simm.s32 $0x1B8E;
	s24 =	sld [smem:$0x3FFE];
	[sflag:s23] =	ssyncadd.s32 $0xFFFFFFFF  }
0xa5: {  	s26 =	simm.s32 $execute0_lowered;
	[smem:$0x3FD2] =	sst s25  }
0xa6: {  	s5 =	sshll.u32 s26, $0x1;
	_ =	strace $0x8000004F;
	[dreg:$0x1] =	wrdreg $0xFFFFFFFF  }
0xa7: {  	s28 =	simm.s32 $_size_execute0_lowered;
	s3 =	sadd.s32 s3, s5;
	[dreg:$0x0] =	wrdreg $0x0  }
0xa8: {  	s5 =	sshll.u32 s28, $0x1;
	[dreg:$0x2] =	wrdreg s3  }
0xa9: {  	[dreg:$0x3] =	wrdreg s5  }
0xaa: {  	[dreg:$0x4] =	wrdreg $0xC0  }
0xab: {  	_ =	task [dreg:s7], $0x5FFFF  }
0xac: {  	[dreg:$0x1] =	wrdreg $0xFFFFFFFF  }
0xad: {  	[dreg:$0x0] =	wrdreg $0x60  }
0xae: {  	[dreg:$0x2] =	wrdreg s2  }
0xaf: {  	[dreg:$0x3] =	wrdreg s24  }
0xb0: {  	[dreg:$0x4] =	wrdreg $0x9  }
0xb1: {  	_ =	task.clear_ibuf [dreg:s7], $0x5FFFF;
	_ =	strace $0x9000004F  }
0xb2: {  	s29 =	simm.s32 $0x9;
	_ =	strace $0x80000051  }
0xb3: {  	_ =	swait.ge [sflag:s29], $0x1  }
0xb4: {  	[sflag:s29] =	ssyncadd.s32 $0xFFFFFFFF  }
0xb5: {  	_ =	strace $0x90000051  }
0xb6: {  	_ =	sfence  }
0xb7: {  	s30 =	sld [smem:$0x0];
	_ =	sdelay $0x2  }
0xb8: {  	s31 =	sshll.u32 s1, $0xD;
	s1 =	sshrl.u32 s1, $0x2  }
0xb9: {  	s3 =	sand.u32 $0x4000, s31;
	s1 =	sadd.s32 s1, s30  }
0xba: {  	s0 =	sor.u32 s3, s0;
	s1 =	sshll.u32 s1, $0x11  }
0xbb: {  	s0 =	sor.u32 s1, s0  }
0xbc: {  	s0 =	sadd.s32 $0x8F2B, s0  }
0xbd: {  	[sflag:s0] =	ssyncadd.remote.s32 $0x1  }
0xbe: {  	_ =	sfence.sel $0xFFFF  }
0xbf: {  	[dreg:$0x0] =	wrdreg $0xFFFFFFFF;
	(pc) =	sbr.abs _section_cstart, $3  }
0xc0: {  	[dreg:$0x1] =	wrdreg $0xFFFFFFFF  }
0xc1: {  	_ =	task.clear_ibuf [dreg:s7], $0x2FFFF;
	_ =	strace $0x9FFFFFFF  }
0xc2: {  	(tm) =	ssettm $0x7FFFFFFF  }
0xc3: {  	_ =	shalt  }
tec
execute0_lowered:
.L_overlay_start_1:
0x0: {  	(tag) =	ssettag $0x1  }
0x1: {  	s1 =	srdreg.scid;
	s2 =	rddreg [dreg:$0x0]  }
0x2: {  	s0 =	stileid.u32;
	s5 =	rddreg [dreg:$0x1]  }
0x3: {  	s3 =	simm.s32 $0x0;
	s11 =	simm.s32 $0x0;
	s4 =	sand.u32 $0x1, s1  }
0x4: {  	s28 =	sshll.u32 s0, $0x1;
	s1 =	rddreg [dreg:$0x2];
	s7 =	smul.u32 $0x1E000, s0  }
0x5: {  	[smem:$0x7FF] =	sst s3;
	s6 =	sor.u32 s4, s28;
	s10 =	smul.u32 $0xF000, s4  }
0x6: {  	s8 =	ssub.s32 $0x2, s4;
	_ =	strace $0x80000050;
	s6 =	smul.u32 $0x1E0, s6  }
0x7: {  	s9 =	sshrl.u32 s8, $0x1;
	s30 =	sadd.s32 s7, s5;
	s7 =	simm.s32 $0x3  }
0x8: {  	s31 =	ssub.s32 s8, s9;
	s8 =	simm.s32 $0x78;
	s9 =	simm.s32 $0x1  }
0x9: {  	s29 =	sadd.s32 s6, s5;
	s5 =	smax.u32 s31, $0x1;
	s6 =	sadd.s32 s10, s30  }
0xa: {  	s10 =	simm.s32 $0x2;
	s4 =	sadd.s32 $0x10000, s29;
	s6 =	sadd.s32 $0x13C00, s6  }
.LBB2_1:
0xb: {  	[tilespmem:s3], [sflag:$0x3] =	stream.linear.gather [hbm4b:s4+s3], $0xF00, $0x38;
	[tilespmem:$0x8700] =	vst v63  }
0xc: {  	s12 =	sand.u32 $0x1, s3;
	_ =	swait.ge [sflag:s7], $0xF00  }
0xd: {  	p0 =	seq.s32 s12, $0x1;
	s12 =	simm.s32 $0x4B00;
	[sflag:s7] =	ssyncset.done $0x0  }
0xe: {  	s12 =	simm.s32 @!p0 $0xF00;
	[sflag:s7] =	ssyncadd.s32 $0xFFFFF100  }
0xf: {  	[tilespmem:s12], [sflag:$0x1] =	stream.indirect.gather [hbm4b:s2+s8], $0x80, s3, s8, $0xb8;
	[tilespmem:$0x8700] =	vst v63  }
0x10: {  	_ =	swait.ge [sflag:s9], $0x3C00  }
0x11: {  	[sflag:s9] =	ssyncset.done $0x0  }
0x12: {  	s13 =	simm.s32 $0x1;
	s14 =	simm.s32 $0x2;
	[sflag:s9] =	ssyncadd.s32 $0xFFFFC400  }
0x13: {  	[hbm4b:s6+s3] =	stream.linear.scatter [tilespmem:s12], [sflag:$0x2], $0x3C00, $0x38;
	[tilespmem:$0x8700] =	vst v63  }
0x14: {  	s31 =	sand.u32 $0x1, s13;
	s13 =	simm.s32 $0x78;
	_ =	swait.ge [sflag:s10], $0x3C00  }
0x15: {  	p1 =	seq.s32 s31, $0x1;
	s12 =	sadd.s32 $0x780, s6;
	[sflag:s10] =	ssyncset.done $0x0  }
.LBB2_2:
0x16: {  	s15 =	simm.s32 $0x4B00;
	[sflag:s10] =	ssyncadd.s32 $0xFFFFC400  }
0x17: {  	s16 =	smov.u32 s14;
	s17 =	sadd.s32 $0x1, s14;
	s15 =	simm.s32 @!p1 $0xF00  }
0x18: {  	[tilespmem:s15], [sflag:$0x1] =	stream.indirect.gather [hbm4b:s2+s8], $0x80, s13, s8, $0xb8;
	[tilespmem:$0x8700] =	vst v63  }
0x19: {  	p0 =	sne.s32 s14, $0x1F;
	_ =	swait.ge [sflag:s9], $0x3C00  }
.Ltmp0:
0x1a: {  	[sflag:s9] =	ssyncset.done $0x0;
	(pc) =	sbr.rel @p0 .LBB2_2-.Ltmp0, $4  }
0x1b: {  	s14 =	sand.u32 $0x1, s16;
	[sflag:s9] =	ssyncadd.s32 $0xFFFFC400  }
0x1c: {  	[hbm4b:s12+s3] =	stream.linear.scatter [tilespmem:s15], [sflag:$0x2], $0x3C00, $0x38;
	[tilespmem:$0x8700] =	vst v63  }
0x1d: {  	s13 =	sadd.s32 $0x78, s13;
	p1 =	seq.s32 s14, $0x1;
	_ =	swait.ge [sflag:s10], $0x3C00  }
0x1e: {  	s14 =	smov.u32 s17;
	s12 =	sadd.s32 $0x780, s12;
	[sflag:s10] =	ssyncset.done $0x0  }
0x1f: {  	s14 =	simm.s32 $0x4B00  }
0x20: {  	[sflag:s10] =	ssyncadd.s32 $0xFFFFC400;
	s14 =	simm.s32 @!p1 $0xF00  }
0x21: {  	[tilespmem:s14], [sflag:$0x1] =	stream.indirect.gather [hbm4b:s2+s8], $0x80, s13, s8, $0xb8;
	[tilespmem:$0x8700] =	vst v63  }
0x22: {  	s11 =	sadd.s32 $0x1, s11;
	_ =	swait.ge [sflag:s9], $0x3C00  }
0x23: {  	p0 =	sne.s32 s11, s5;
	[sflag:s9] =	ssyncset.done $0x0  }
.Ltmp1:
0x24: {  	[sflag:s9] =	ssyncadd.s32 $0xFFFFC400;
	(pc) =	sbr.rel @p0 .LBB2_1-.Ltmp1, $4  }
0x25: {  	[hbm4b:s12+s3] =	stream.linear.scatter [tilespmem:s14], [sflag:$0x2], $0x3C00, $0x38;
	[tilespmem:$0x8700] =	vst v63  }
0x26: {  	_ =	swait.ge [sflag:s10], $0x3C00  }
0x27: {  	[sflag:s10] =	ssyncset.done $0x0  }
0x28: {  	[sflag:s10] =	ssyncadd.s32 $0xFFFFC400  }
0x29: {  	_ =	sfence.sel $0x180000  }
0x2a: {  	[bflag:$0x0] =	sbarrier.arrive $0xFFFF  }
0x2b: {  	p0 =	sne.s32 s0, $0x0;
	_ =	strace $0x90000050  }
0x2c: {  	s0 =	sadd.s32 @!p0 $0x100000, s1;
	[bflag:$0x2] =	sbarrier.arrive $0xFFFF  }
0x2d: {  	[sflag:s0] =	ssyncadd.tile.s32 @!p0 $0x1;
	_ =	shalt  }
.Lfunc_end2:
_tile_overlayer_lowered:
.L_overlay_start_2:
0x2e: {  	(tag) =	ssettag $0x2  }
0x2f: {  	s0 =	rddreg [dreg:$0x0];
	s2 =	stileid.u32  }
0x30: {  	s1 =	rddreg [dreg:$0x1];
	p0 =	sne.s32 s2, $0x0  }
0x31: {  	s3 =	rddreg [dreg:$0x2];
	[bflag:$0x3] =	sbarrier.arrive $0xFFFF;
	s2 =	simm.s32 @!p0 $0x1C03  }
0x32: {  	[timem:s3], [sflag:s2] =	dma.local @!p0 [hbm:s0], s1  }
0x33: {  	s0 =	simm.s32 @!p0 $0x3  }
0x34: {  	_ =	swait.ge @!p0 [sflag:s0], s1  }
0x35: {  	s1 =	ssub.s32 @!p0 $0x0, s1;
	[sflag:s0] =	ssyncset.done @!p0 $0x0  }
0x36: {  	[sflag:s0] =	ssyncadd.s32 @!p0 s1  }
0x37: {  	[bflag:$0x3] =	sbarrier.arrive $0xFFFF  }
0x38: {  	_ =	shalt  }

</sc_bundles>
